<compile_context>
chip_gen: v7x
topology: tpu7x:2x2x1
jax: 0.10.2.dev20260603
libtpu: 0.0.44.dev20260713+nightly
codegen_flags: <defaults>
</compile_context>

<pallas_src>
import jax
import jax.numpy as jnp
from jax import lax
from jax.experimental import pallas as pl
from jax.experimental.pallas import tpu as pltpu
from jax.experimental.pallas import tpu_sc as plsc

N = 10000
E = 320000
F = 128
C = 40
D2 = 128
NPAD = 10240
NC, NS, L = 2, 16, 16
NW = NC * NS
EPW = E // NW
K = 80
NCH = EPW // K
RPW = NPAD // NS
BR = 1024


def _sc_mesh():
    return plsc.VectorSubcoreMesh(core_axis_name="c", subcore_axis_name="s")


def _fill_rows(rows, d, val):
    v = jnp.full((L,), val, jnp.float32)

    def body(i, _):
        for j in range(d // L):
            rows[i, pl.ds(j * L, L)] = v
        return 0

    lax.fori_loop(0, K, body, 0)


def _zero_acc(rows, acc, d, s):
    _fill_rows(rows, d, 0.0)

    def body(i, _):
        pltpu.sync_copy(rows, acc.at[pl.ds(s * RPW + i * K, K)])
        return 0

    lax.fori_loop(0, RPW // K, body, 0)


def _drain_acc(acc, out_hbm, c, s):
    pltpu.sync_copy(acc.at[pl.ds(s * RPW, RPW)],
                    out_hbm.at[c, pl.ds(s * RPW, RPW)])


def _deg_body(dst_hbm, out_hbm, idx_d, rows, acc):
    c = lax.axis_index("c")
    s = lax.axis_index("s")
    w = s * NC + c
    _zero_acc(rows, acc, F, s)
    plsc.subcore_barrier()
    _fill_rows(rows, F, 1.0)

    def step(i, _):
        pltpu.sync_copy(dst_hbm.at[w * NCH + i], idx_d)
        pltpu.sync_copy(rows, acc.at[idx_d], add=True)
        return 0

    lax.fori_loop(0, NCH, step, 0)
    plsc.subcore_barrier()
    _drain_acc(acc, out_hbm, c, s)


def _deg_call(dst2):
    f = pl.kernel(
        _deg_body,
        out_type=jax.ShapeDtypeStruct((NC, NPAD, F), jnp.float32),
        mesh=_sc_mesh(),
        scratch_types=[
            pltpu.VMEM((K,), jnp.int32),
            pltpu.VMEM((K, F), jnp.float32),
            pltpu.VMEM_SHARED((NPAD, F), jnp.float32),
        ],
    )
    return f(dst2)


def _msg_body(xs_hbm, src_hbm, dst_hbm, out_hbm, idx_s, idx_d, rows, acc, sem):
    d = rows.shape[1]
    c = lax.axis_index("c")
    s = lax.axis_index("s")
    w = s * NC + c
    _zero_acc(rows, acc, d, s)
    plsc.subcore_barrier()

    def step(i, _):
        row = w * NCH + i
        pltpu.sync_copy(src_hbm.at[row], idx_s)
        pltpu.async_copy(xs_hbm.at[idx_s], rows, sem).wait()
        pltpu.sync_copy(dst_hbm.at[row], idx_d)
        pltpu.sync_copy(rows, acc.at[idx_d], add=True)
        return 0

    lax.fori_loop(0, NCH, step, 0)
    plsc.subcore_barrier()
    _drain_acc(acc, out_hbm, c, s)


def _msg_call(xs, src2, dst2, d):
    f = pl.kernel(
        _msg_body,
        out_type=jax.ShapeDtypeStruct((NC, NPAD, d), jnp.float32),
        mesh=_sc_mesh(),
        scratch_types=[
            pltpu.VMEM((K,), jnp.int32),
            pltpu.VMEM((K,), jnp.int32),
            pltpu.VMEM((K, d), jnp.float32),
            pltpu.VMEM_SHARED((NPAD, d), jnp.float32),
            pltpu.SemaphoreType.DMA,
        ],
    )
    return f(xs, src2, dst2)


def _dinv_of(dp):
    deg = 1.0 + dp[0, :, 0] + dp[1, :, 0]
    return lax.rsqrt(deg)


def _tc1_body(dp_ref, x_ref, w1_ref, o_ref):
    dinv = _dinv_of(dp_ref[...])
    h0 = jnp.dot(x_ref[...], w1_ref[...], preferred_element_type=jnp.float32)
    o_ref[...] = h0 * dinv[:, None]


def _tc1(degp, xpad, W1):
    return pl.pallas_call(
        _tc1_body,
        grid=(NPAD // BR,),
        in_specs=[
            pl.BlockSpec((NC, BR, F), lambda i: (0, i, 0)),
            pl.BlockSpec((BR, F), lambda i: (i, 0)),
            pl.BlockSpec((F, F), lambda i: (0, 0)),
        ],
        out_specs=pl.BlockSpec((BR, F), lambda i: (i, 0)),
        out_shape=jax.ShapeDtypeStruct((NPAD, F), jnp.float32),
    )(degp, xpad, W1)


def _tc2_body(dp_ref, a1_ref, xs_ref, w2_ref, b1_ref, o_ref):
    dinv = _dinv_of(dp_ref[...])
    a1 = a1_ref[...]
    sacc = a1[0] + a1[1] + xs_ref[...]
    h1 = jnp.maximum(dinv[:, None] * sacc + b1_ref[...], 0.0)
    z = jnp.dot(h1, w2_ref[...], preferred_element_type=jnp.float32)
    o_ref[...] = z * dinv[:, None]


def _tc2(degp, acc1, xs, w2p, b1r):
    return pl.pallas_call(
        _tc2_body,
        grid=(NPAD // BR,),
        in_specs=[
            pl.BlockSpec((NC, BR, F), lambda i: (0, i, 0)),
            pl.BlockSpec((NC, BR, F), lambda i: (0, i, 0)),
            pl.BlockSpec((BR, F), lambda i: (i, 0)),
            pl.BlockSpec((F, D2), lambda i: (0, 0)),
            pl.BlockSpec((1, F), lambda i: (0, 0)),
        ],
        out_specs=pl.BlockSpec((BR, D2), lambda i: (i, 0)),
        out_shape=jax.ShapeDtypeStruct((NPAD, D2), jnp.float32),
    )(degp, acc1, xs, w2p, b1r)


def _tc3_body(dp_ref, a2_ref, zs_ref, b2_ref, o_ref):
    dinv = _dinv_of(dp_ref[...])
    a2 = a2_ref[...]
    o = dinv[:, None] * (a2[0] + a2[1] + zs_ref[...]) + b2_ref[...]
    m = jnp.max(o, axis=1, keepdims=True)
    lo = o - m
    lse = jnp.log(jnp.sum(jnp.exp(lo), axis=1, keepdims=True))
    o_ref[...] = lo - lse


def _tc3(degp, acc2, zs, b2p):
    return pl.pallas_call(
        _tc3_body,
        grid=(NPAD // BR,),
        in_specs=[
            pl.BlockSpec((NC, BR, F), lambda i: (0, i, 0)),
            pl.BlockSpec((NC, BR, D2), lambda i: (0, i, 0)),
            pl.BlockSpec((BR, D2), lambda i: (i, 0)),
            pl.BlockSpec((1, D2), lambda i: (0, 0)),
        ],
        out_specs=pl.BlockSpec((BR, D2), lambda i: (i, 0)),
        out_shape=jax.ShapeDtypeStruct((NPAD, D2), jnp.float32),
    )(degp, acc2, zs, b2p)


def kernel(x, edge_index, W1, b1, W2, b2):
    src2 = edge_index[0].astype(jnp.int32).reshape(E // K, K)
    dst2 = edge_index[1].astype(jnp.int32).reshape(E // K, K)
    xpad = jnp.pad(x, ((0, NPAD - N), (0, 0)))
    w2p = jnp.pad(W2, ((0, 0), (0, D2 - C)))
    b1r = b1.reshape(1, F)
    b2p = jnp.concatenate(
        [b2, jnp.full((D2 - C,), -1e30, jnp.float32)]).reshape(1, D2)

    degp = _deg_call(dst2)
    xs = _tc1(degp, xpad, W1)
    acc1 = _msg_call(xs, src2, dst2, F)
    zs = _tc2(degp, acc1, xs, w2p, b1r)
    acc2 = _msg_call(zs, src2, dst2, D2)
    o = _tc3(degp, acc2, zs, b2p)
    return o[:N, :C]

# --- scband reference (transcript-rebuilt; emitter-appended) ---
"""Pipeline reference for scband-gcnmodel-42657615184421 (READ-ONLY COPY).

The authoritative reference and input builder live on the scoring server;
editing this copy changes nothing except your own understanding.
"""

import jax, jax.numpy as jnp
import numpy as np

N = 10000
E = 320000
F_IN = 128
H = 128
C = 40


def setup_inputs(seed: int = 0) -> dict:
    key = jax.random.key(seed)
    k1, k2, k3, k4 = jax.random.split(key, 4)
    x = jax.random.normal(k1, (N, F_IN), dtype=jnp.float32)
    edge_index = jax.random.randint(k2, (2, E), 0, N)
    W1 = jax.random.normal(k3, (F_IN, H), dtype=jnp.float32) * (1.0 / np.sqrt(F_IN))
    b1 = jnp.zeros((H,), dtype=jnp.float32)
    W2 = jax.random.normal(k4, (H, C), dtype=jnp.float32) * (1.0 / np.sqrt(H))
    b2 = jnp.zeros((C,), dtype=jnp.float32)
    return {"x": x, "edge_index": edge_index, "W1": W1, "b1": b1, "W2": W2, "b2": b2}


def gcn_conv(x, edge_index, W, b):
    # Faithful GCNConv: x' = D^{-1/2} (A + I) D^{-1/2} x W + b
    n = x.shape[0]
    src = edge_index[0]
    dst = edge_index[1]
    loops = jnp.arange(n, dtype=src.dtype)
    src = jnp.concatenate([src, loops])
    dst = jnp.concatenate([dst, loops])
    deg = jax.ops.segment_sum(jnp.ones(src.shape[0], dtype=x.dtype), dst, num_segments=n)
    dinv = jnp.where(deg > 0, 1.0 / jnp.sqrt(deg), 0.0)
    norm = dinv[src] * dinv[dst]
    h = x @ W
    msg = h[src] * norm[:, None]
    out = jax.ops.segment_sum(msg, dst, num_segments=n)
    return out + b


def reference(x, edge_index, W1, b1, W2, b2):
    # convs: single hidden GCNConv with relu
    h = jax.nn.relu(gcn_conv(x, edge_index, W1, b1))
    # output layer + log_softmax (apply_activation=True)
    out = gcn_conv(h, edge_index, W2, b2)
    return jax.nn.log_softmax(out, axis=1)

if __name__ == "__main__":
    import jax
    _d = setup_inputs()
    print(jax.jit(kernel)(*tuple(_d.values())))

</pallas_src>

<mosaic_0001>
#map = affine_map<(d0, d1) -> (0, 0)>
#map1 = affine_map<(d0, d1) -> (0, 0, 0)>
module attributes {stable_mosaic.version = 14 : i64} {
  func.func @_msg_body(%arg0: i32, %arg1: i32, %arg2: memref<10240x128xf32, #tpu.memory_space<hbm>>, %arg3: memref<4000x80xi32, #tpu.memory_space<hbm>>, %arg4: memref<4000x80xi32, #tpu.memory_space<hbm>>, %arg5: memref<2x10240x128xf32, #tpu.memory_space<hbm>>, %arg6: memref<80xi32, #tpu.memory_space<vmem>>, %arg7: memref<80xi32, #tpu.memory_space<vmem>>, %arg8: memref<80x128xf32, #tpu.memory_space<vmem>>, %arg9: memref<10240x128xf32, #tpu.memory_space<vmem_shared>>, %arg10: memref<!tpu.dma_semaphore, #tpu.memory_space<semaphore_mem>>) attributes {dimension_semantics = [#tpu.dimension_semantics<core_parallel>, #tpu.dimension_semantics<subcore_parallel>], iteration_bounds = array<i64: 2, 16>, scalar_prefetch = 0 : i64, scratch_operands = 5 : i64, tpu.core_type = #tpu.core_type<sc_vector_subcore>, window_params = [{transform_indices = #map}, {transform_indices = #map}, {transform_indices = #map}, {transform_indices = #map1}]} {
    %mul3A = arith.constant 2 : i32
    %mul3A_0 = arith.muli %arg1, %mul3A : i32
    %add3A = arith.addi %mul3A_0, %arg0 : i32
    %broadcast_in_dim3A = arith.constant 0.000000e+00 : f32
    %broadcast_in_dim3A_1 = vector.broadcast %broadcast_in_dim3A : f32 to vector<16xf32>
    %scan3A = arith.constant 0 : i32
    %scan3A_2 = arith.constant 0 : i32
    %scan3A_3 = arith.constant 80 : i32
    %scan3A_4 = arith.addi %scan3A_2, %scan3A_3 : i32
    %scan3A_5 = arith.constant 1 : i32
    %scan3A_6 = scf.for %scan3A_27 = %scan3A_2 to %scan3A_4 step %scan3A_5 iter_args(%scan3A_28 = %scan3A) -> (i32)  : i32 {
      %swap3A = arith.index_cast %scan3A_27 : i32 to index
      %swap3A_29 = arith.constant 0 : index
      %swap3A_30 = tpu.vector_load %arg8[%swap3A, %swap3A_29] {strides = array<i32>} : memref<80x128xf32, #tpu.memory_space<vmem>>, vector<1x16xf32>,
      %swap3A_31 = vector.shape_cast %swap3A_30 : vector<1x16xf32> to vector<16xf32>
      %swap3A_32 = vector.shape_cast %broadcast_in_dim3A_1 : vector<16xf32> to vector<1x16xf32>
      tpu.vector_store %arg8[%swap3A, %swap3A_29], %swap3A_32 {strides = array<i32>} : memref<80x128xf32, #tpu.memory_space<vmem>>, vector<1x16xf32>,
      %swap3A_33 = arith.index_cast %scan3A_27 : i32 to index
      %swap3A_34 = arith.constant 16 : index
      %swap3A_35 = tpu.vector_load %arg8[%swap3A_33, %swap3A_34] {strides = array<i32>} : memref<80x128xf32, #tpu.memory_space<vmem>>, vector<1x16xf32>,
      %swap3A_36 = vector.shape_cast %swap3A_35 : vector<1x16xf32> to vector<16xf32>
      %swap3A_37 = vector.shape_cast %broadcast_in_dim3A_1 : vector<16xf32> to vector<1x16xf32>
      tpu.vector_store %arg8[%swap3A_33, %swap3A_34], %swap3A_37 {strides = array<i32>} : memref<80x128xf32, #tpu.memory_space<vmem>>, vector<1x16xf32>,
      %swap3A_38 = arith.index_cast %scan3A_27 : i32 to index
      %swap3A_39 = arith.constant 32 : index
      %swap3A_40 = tpu.vector_load %arg8[%swap3A_38, %swap3A_39] {strides = array<i32>} : memref<80x128xf32, #tpu.memory_space<vmem>>, vector<1x16xf32>,
      %swap3A_41 = vector.shape_cast %swap3A_40 : vector<1x16xf32> to vector<16xf32>
      %swap3A_42 = vector.shape_cast %broadcast_in_dim3A_1 : vector<16xf32> to vector<1x16xf32>
      tpu.vector_store %arg8[%swap3A_38, %swap3A_39], %swap3A_42 {strides = array<i32>} : memref<80x128xf32, #tpu.memory_space<vmem>>, vector<1x16xf32>,
      %swap3A_43 = arith.index_cast %scan3A_27 : i32 to index
      %swap3A_44 = arith.constant 48 : index
      %swap3A_45 = tpu.vector_load %arg8[%swap3A_43, %swap3A_44] {strides = array<i32>} : memref<80x128xf32, #tpu.memory_space<vmem>>, vector<1x16xf32>,
      %swap3A_46 = vector.shape_cast %swap3A_45 : vector<1x16xf32> to vector<16xf32>
      %swap3A_47 = vector.shape_cast %broadcast_in_dim3A_1 : vector<16xf32> to vector<1x16xf32>
      tpu.vector_store %arg8[%swap3A_43, %swap3A_44], %swap3A_47 {strides = array<i32>} : memref<80x128xf32, #tpu.memory_space<vmem>>, vector<1x16xf32>,
      %swap3A_48 = arith.index_cast %scan3A_27 : i32 to index
      %swap3A_49 = arith.constant 64 : index
      %swap3A_50 = tpu.vector_load %arg8[%swap3A_48, %swap3A_49] {strides = array<i32>} : memref<80x128xf32, #tpu.memory_space<vmem>>, vector<1x16xf32>,
      %swap3A_51 = vector.shape_cast %swap3A_50 : vector<1x16xf32> to vector<16xf32>
      %swap3A_52 = vector.shape_cast %broadcast_in_dim3A_1 : vector<16xf32> to vector<1x16xf32>
      tpu.vector_store %arg8[%swap3A_48, %swap3A_49], %swap3A_52 {strides = array<i32>} : memref<80x128xf32, #tpu.memory_space<vmem>>, vector<1x16xf32>,
      %swap3A_53 = arith.index_cast %scan3A_27 : i32 to index
      %swap3A_54 = arith.constant 80 : index
      %swap3A_55 = tpu.vector_load %arg8[%swap3A_53, %swap3A_54] {strides = array<i32>} : memref<80x128xf32, #tpu.memory_space<vmem>>, vector<1x16xf32>,
      %swap3A_56 = vector.shape_cast %swap3A_55 : vector<1x16xf32> to vector<16xf32>
      %swap3A_57 = vector.shape_cast %broadcast_in_dim3A_1 : vector<16xf32> to vector<1x16xf32>
      tpu.vector_store %arg8[%swap3A_53, %swap3A_54], %swap3A_57 {strides = array<i32>} : memref<80x128xf32, #tpu.memory_space<vmem>>, vector<1x16xf32>,
      %swap3A_58 = arith.index_cast %scan3A_27 : i32 to index
      %swap3A_59 = arith.constant 96 : index
      %swap3A_60 = tpu.vector_load %arg8[%swap3A_58, %swap3A_59] {strides = array<i32>} : memref<80x128xf32, #tpu.memory_space<vmem>>, vector<1x16xf32>,
      %swap3A_61 = vector.shape_cast %swap3A_60 : vector<1x16xf32> to vector<16xf32>
      %swap3A_62 = vector.shape_cast %broadcast_in_dim3A_1 : vector<16xf32> to vector<1x16xf32>
      tpu.vector_store %arg8[%swap3A_58, %swap3A_59], %swap3A_62 {strides = array<i32>} : memref<80x128xf32, #tpu.memory_space<vmem>>, vector<1x16xf32>,
      %swap3A_63 = arith.index_cast %scan3A_27 : i32 to index
      %swap3A_64 = arith.constant 112 : index
      %swap3A_65 = tpu.vector_load %arg8[%swap3A_63, %swap3A_64] {strides = array<i32>} : memref<80x128xf32, #tpu.memory_space<vmem>>, vector<1x16xf32>,
      %swap3A_66 = vector.shape_cast %swap3A_65 : vector<1x16xf32> to vector<16xf32>
      %swap3A_67 = vector.shape_cast %broadcast_in_dim3A_1 : vector<16xf32> to vector<1x16xf32>
      tpu.vector_store %arg8[%swap3A_63, %swap3A_64], %swap3A_67 {strides = array<i32>} : memref<80x128xf32, #tpu.memory_space<vmem>>, vector<1x16xf32>,
      %scan3A_68 = arith.constant 0 : i32
      scf.yield %scan3A_68 : i32
    }
    %scan3A_7 = arith.constant 80 : i32
    %scan3A_8 = arith.constant 0 : i32
    %scan3A_9 = arith.constant 0 : i32
    %scan3A_10 = arith.constant 8 : i32
    %scan3A_11 = arith.addi %scan3A_9, %scan3A_10 : i32
    %scan3A_12 = arith.constant 1 : i32
    %scan3A_13 = scf.for %scan3A_27 = %scan3A_9 to %scan3A_11 step %scan3A_12 iter_args(%scan3A_28 = %scan3A_8) -> (i32)  : i32 {
      %mul3A_29 = arith.constant 640 : i32
      %mul3A_30 = arith.muli %arg1, %mul3A_29 : i32
      %mul3A_31 = arith.constant 80 : i32
      %mul3A_32 = arith.muli %scan3A_27, %mul3A_31 : i32
      %add3A_33 = arith.addi %mul3A_30, %mul3A_32 : i32
      "tpu.region"() ({
        %run_scoped3A = tpu.sem_alloc : memref<!tpu.dma_semaphore, #tpu.memory_space<semaphore_mem>>
        %dma_start3A = arith.constant 0 : i32
        %dma_start3A_35 = tpu.memref_slice %arg9[%add3A_33, %dma_start3A] : memref<10240x128xf32, #tpu.memory_space<vmem_shared>> -> memref<80x128xf32, #tpu.memory_space<vmem_shared>>
        %dma_start3A_36 = arith.constant 0 : i32
        %dma_start3A_37 = tpu.memref_slice %arg9[%add3A_33, %dma_start3A_36] : memref<10240x128xf32, #tpu.memory_space<vmem_shared>> -> memref<80x128xf32, #tpu.memory_space<vmem_shared>>
        tpu.enqueue_dma source(%arg8 : memref<80x128xf32, #tpu.memory_space<vmem>>) target(%dma_start3A_37 : memref<80x128xf32, #tpu.memory_space<vmem_shared>>) target_semaphore(%run_scoped3A : memref<!tpu.dma_semaphore, #tpu.memory_space<semaphore_mem>>)
        %dma_wait3A = arith.constant 0 : i32
        %dma_wait3A_38 = tpu.memref_slice %arg9[%add3A_33, %dma_wait3A] : memref<10240x128xf32, #tpu.memory_space<vmem_shared>> -> memref<80x128xf32, #tpu.memory_space<vmem_shared>>
        %dma_wait3A_39 = arith.constant 0 : i32
        %dma_wait3A_40 = tpu.memref_slice %arg9[%add3A_33, %dma_wait3A_39] : memref<10240x128xf32, #tpu.memory_space<vmem_shared>> -> memref<80x128xf32, #tpu.memory_space<vmem_shared>>
        tpu.wait_dma2 semaphore(%run_scoped3A : memref<!tpu.dma_semaphore, #tpu.memory_space<semaphore_mem>>) src(%arg8 : memref<80x128xf32, #tpu.memory_space<vmem>>) dst(%dma_wait3A_40 : memref<80x128xf32, #tpu.memory_space<vmem_shared>>)
        tpu.yield
      }) : () -> ()
      %scan3A_34 = arith.constant 0 : i32
      scf.yield %scan3A_34 : i32
    }
    %scan3A_14 = arith.constant 8 : i32
    %barrier3A = arith.constant 0 : index
    tpu.barrier barrier_id(%barrier3A)
    %scan3A_15 = arith.constant 0 : i32
    %scan3A_16 = arith.constant 0 : i32
    %scan3A_17 = arith.constant 125 : i32
    %scan3A_18 = arith.addi %scan3A_16, %scan3A_17 : i32
    %scan3A_19 = arith.constant 1 : i32
    %scan3A_20 = scf.for %scan3A_27 = %scan3A_16 to %scan3A_18 step %scan3A_19 iter_args(%scan3A_28 = %scan3A_15) -> (i32)  : i32 {
      %mul3A_29 = arith.constant 125 : i32
      %mul3A_30 = arith.muli %add3A, %mul3A_29 : i32
      %add3A_31 = arith.addi %mul3A_30, %scan3A_27 : i32
      "tpu.region"() ({
        %run_scoped3A = tpu.sem_alloc : memref<!tpu.dma_semaphore, #tpu.memory_space<semaphore_mem>>
        %dma_start3A_37 = arith.constant 0 : i32
        %dma_start3A_38 = tpu.memref_slice %arg3[%add3A_31, %dma_start3A_37] : memref<4000x80xi32, #tpu.memory_space<hbm>> -> memref<1x80xi32, #tpu.memory_space<hbm>>
        %dma_start3A_39 = tpu.memref_squeeze %dma_start3A_38 : memref<1x80xi32, #tpu.memory_space<hbm>> -> memref<80xi32, #tpu.memory_space<hbm>>
        %dma_start3A_40 = arith.constant 0 : i32
        %dma_start3A_41 = tpu.memref_slice %arg3[%add3A_31, %dma_start3A_40] : memref<4000x80xi32, #tpu.memory_space<hbm>> -> memref<1x80xi32, #tpu.memory_space<hbm>>
        %dma_start3A_42 = tpu.memref_squeeze %dma_start3A_41 : memref<1x80xi32, #tpu.memory_space<hbm>> -> memref<80xi32, #tpu.memory_space<hbm>>
        tpu.enqueue_dma source(%dma_start3A_42 : memref<80xi32, #tpu.memory_space<hbm>>) target(%arg6 : memref<80xi32, #tpu.memory_space<vmem>>) target_semaphore(%run_scoped3A : memref<!tpu.dma_semaphore, #tpu.memory_space<semaphore_mem>>)
        %dma_wait3A_43 = arith.constant 0 : i32
        %dma_wait3A_44 = tpu.memref_slice %arg3[%add3A_31, %dma_wait3A_43] : memref<4000x80xi32, #tpu.memory_space<hbm>> -> memref<1x80xi32, #tpu.memory_space<hbm>>
        %dma_wait3A_45 = tpu.memref_squeeze %dma_wait3A_44 : memref<1x80xi32, #tpu.memory_space<hbm>> -> memref<80xi32, #tpu.memory_space<hbm>>
        %dma_wait3A_46 = arith.constant 0 : i32
        %dma_wait3A_47 = tpu.memref_slice %arg3[%add3A_31, %dma_wait3A_46] : memref<4000x80xi32, #tpu.memory_space<hbm>> -> memref<1x80xi32, #tpu.memory_space<hbm>>
        %dma_wait3A_48 = tpu.memref_squeeze %dma_wait3A_47 : memref<1x80xi32, #tpu.memory_space<hbm>> -> memref<80xi32, #tpu.memory_space<hbm>>
        tpu.wait_dma2 semaphore(%run_scoped3A : memref<!tpu.dma_semaphore, #tpu.memory_space<semaphore_mem>>) src(%dma_wait3A_48 : memref<80xi32, #tpu.memory_space<hbm>>) dst(%arg6 : memref<80xi32, #tpu.memory_space<vmem>>)
        tpu.yield
      }) : () -> ()
      %dma_start3A = arith.constant 0 : i32
      %dma_start3A_32 = arith.constant 0 : i32
      %dma_start3A_33 = tpu.memref_slice %arg2[%dma_start3A, %dma_start3A_32] : memref<10240x128xf32, #tpu.memory_space<hbm>> -> memref<10240x128xf32, #tpu.memory_space<hbm>>
      tpu.enqueue_indirect_dma source(%dma_start3A_33 : memref<10240x128xf32, #tpu.memory_space<hbm>>) target(%arg8 : memref<80x128xf32, #tpu.memory_space<vmem>>) offsets(%arg6 : memref<80xi32, #tpu.memory_space<vmem>>) semaphore(%arg10 : memref<!tpu.dma_semaphore, #tpu.memory_space<semaphore_mem>>)
      %dma_wait3A = arith.constant 0 : i32
      %dma_wait3A_34 = arith.constant 0 : i32
      %dma_wait3A_35 = tpu.memref_slice %arg2[%dma_wait3A, %dma_wait3A_34] : memref<10240x128xf32, #tpu.memory_space<hbm>> -> memref<10240x128xf32, #tpu.memory_space<hbm>>
      tpu.wait_indirect_dma semaphore(%arg10 : memref<!tpu.dma_semaphore, #tpu.memory_space<semaphore_mem>>) src(%dma_wait3A_35 : memref<10240x128xf32, #tpu.memory_space<hbm>>) dst(%arg8 : memref<80x128xf32, #tpu.memory_space<vmem>>)
      "tpu.region"() ({
        %run_scoped3A = tpu.sem_alloc : memref<!tpu.dma_semaphore, #tpu.memory_space<semaphore_mem>>
        %dma_start3A_37 = arith.constant 0 : i32
        %dma_start3A_38 = tpu.memref_slice %arg4[%add3A_31, %dma_start3A_37] : memref<4000x80xi32, #tpu.memory_space<hbm>> -> memref<1x80xi32, #tpu.memory_space<hbm>>
        %dma_start3A_39 = tpu.memref_squeeze %dma_start3A_38 : memref<1x80xi32, #tpu.memory_space<hbm>> -> memref<80xi32, #tpu.memory_space<hbm>>
        %dma_start3A_40 = arith.constant 0 : i32
        %dma_start3A_41 = tpu.memref_slice %arg4[%add3A_31, %dma_start3A_40] : memref<4000x80xi32, #tpu.memory_space<hbm>> -> memref<1x80xi32, #tpu.memory_space<hbm>>
        %dma_start3A_42 = tpu.memref_squeeze %dma_start3A_41 : memref<1x80xi32, #tpu.memory_space<hbm>> -> memref<80xi32, #tpu.memory_space<hbm>>
        tpu.enqueue_dma source(%dma_start3A_42 : memref<80xi32, #tpu.memory_space<hbm>>) target(%arg7 : memref<80xi32, #tpu.memory_space<vmem>>) target_semaphore(%run_scoped3A : memref<!tpu.dma_semaphore, #tpu.memory_space<semaphore_mem>>)
        %dma_wait3A_43 = arith.constant 0 : i32
        %dma_wait3A_44 = tpu.memref_slice %arg4[%add3A_31, %dma_wait3A_43] : memref<4000x80xi32, #tpu.memory_space<hbm>> -> memref<1x80xi32, #tpu.memory_space<hbm>>
        %dma_wait3A_45 = tpu.memref_squeeze %dma_wait3A_44 : memref<1x80xi32, #tpu.memory_space<hbm>> -> memref<80xi32, #tpu.memory_space<hbm>>
        %dma_wait3A_46 = arith.constant 0 : i32
        %dma_wait3A_47 = tpu.memref_slice %arg4[%add3A_31, %dma_wait3A_46] : memref<4000x80xi32, #tpu.memory_space<hbm>> -> memref<1x80xi32, #tpu.memory_space<hbm>>
        %dma_wait3A_48 = tpu.memref_squeeze %dma_wait3A_47 : memref<1x80xi32, #tpu.memory_space<hbm>> -> memref<80xi32, #tpu.memory_space<hbm>>
        tpu.wait_dma2 semaphore(%run_scoped3A : memref<!tpu.dma_semaphore, #tpu.memory_space<semaphore_mem>>) src(%dma_wait3A_48 : memref<80xi32, #tpu.memory_space<hbm>>) dst(%arg7 : memref<80xi32, #tpu.memory_space<vmem>>)
        tpu.yield
      }) : () -> ()
      "tpu.region"() ({
        %run_scoped3A = tpu.sem_alloc : memref<!tpu.dma_semaphore, #tpu.memory_space<semaphore_mem>>
        %dma_start3A_37 = arith.constant 0 : i32
        %dma_start3A_38 = arith.constant 0 : i32
        %dma_start3A_39 = tpu.memref_slice %arg9[%dma_start3A_37, %dma_start3A_38] : memref<10240x128xf32, #tpu.memory_space<vmem_shared>> -> memref<10240x128xf32, #tpu.memory_space<vmem_shared>>
        tpu.enqueue_indirect_dma source(%arg8 : memref<80x128xf32, #tpu.memory_space<vmem>>) target(%dma_start3A_39 : memref<10240x128xf32, #tpu.memory_space<vmem_shared>>) offsets(%arg7 : memref<80xi32, #tpu.memory_space<vmem>>) semaphore(%run_scoped3A : memref<!tpu.dma_semaphore, #tpu.memory_space<semaphore_mem>>) {add = true}
        %dma_wait3A_40 = arith.constant 0 : i32
        %dma_wait3A_41 = arith.constant 0 : i32
        %dma_wait3A_42 = tpu.memref_slice %arg9[%dma_wait3A_40, %dma_wait3A_41] : memref<10240x128xf32, #tpu.memory_space<vmem_shared>> -> memref<10240x128xf32, #tpu.memory_space<vmem_shared>>
        tpu.wait_indirect_dma semaphore(%run_scoped3A : memref<!tpu.dma_semaphore, #tpu.memory_space<semaphore_mem>>) src(%arg8 : memref<80x128xf32, #tpu.memory_space<vmem>>) dst(%dma_wait3A_42 : memref<10240x128xf32, #tpu.memory_space<vmem_shared>>)
        tpu.yield
      }) : () -> ()
      %scan3A_36 = arith.constant 0 : i32
      scf.yield %scan3A_36 : i32
    }
    %scan3A_21 = arith.constant 125 : i32
    %barrier3A_22 = arith.constant 0 : index
    tpu.barrier barrier_id(%barrier3A_22)
    %mul3A_23 = arith.constant 640 : i32
    %mul3A_24 = arith.muli %arg1, %mul3A_23 : i32
    %mul3A_25 = arith.constant 640 : i32
    %mul3A_26 = arith.muli %arg1, %mul3A_25 : i32
    "tpu.region"() ({
      %run_scoped3A = tpu.sem_alloc : memref<!tpu.dma_semaphore, #tpu.memory_space<semaphore_mem>>
      %dma_start3A = arith.constant 0 : i32
      %dma_start3A_27 = tpu.memref_slice %arg5[%arg0, %mul3A_26, %dma_start3A] : memref<2x10240x128xf32, #tpu.memory_space<hbm>> -> memref<1x640x128xf32, #tpu.memory_space<hbm>>
      %dma_start3A_28 = tpu.memref_squeeze %dma_start3A_27 : memref<1x640x128xf32, #tpu.memory_space<hbm>> -> memref<640x128xf32, #tpu.memory_space<hbm>>
      %dma_start3A_29 = arith.constant 0 : i32
      %dma_start3A_30 = tpu.memref_slice %arg9[%mul3A_24, %dma_start3A_29] : memref<10240x128xf32, #tpu.memory_space<vmem_shared>> -> memref<640x128xf32, #tpu.memory_space<vmem_shared>>
      tpu.enqueue_dma source(%dma_start3A_30 : memref<640x128xf32, #tpu.memory_space<vmem_shared>>) target(%dma_start3A_28 : memref<640x128xf32, #tpu.memory_space<hbm>>) target_semaphore(%run_scoped3A : memref<!tpu.dma_semaphore, #tpu.memory_space<semaphore_mem>>)
      %dma_wait3A = arith.constant 0 : i32
      %dma_wait3A_31 = tpu.memref_slice %arg5[%arg0, %mul3A_26, %dma_wait3A] : memref<2x10240x128xf32, #tpu.memory_space<hbm>> -> memref<1x640x128xf32, #tpu.memory_space<hbm>>
      %dma_wait3A_32 = tpu.memref_squeeze %dma_wait3A_31 : memref<1x640x128xf32, #tpu.memory_space<hbm>> -> memref<640x128xf32, #tpu.memory_space<hbm>>
      %dma_wait3A_33 = arith.constant 0 : i32
      %dma_wait3A_34 = tpu.memref_slice %arg9[%mul3A_24, %dma_wait3A_33] : memref<10240x128xf32, #tpu.memory_space<vmem_shared>> -> memref<640x128xf32, #tpu.memory_space<vmem_shared>>
      tpu.wait_dma2 semaphore(%run_scoped3A : memref<!tpu.dma_semaphore, #tpu.memory_space<semaphore_mem>>) src(%dma_wait3A_34 : memref<640x128xf32, #tpu.memory_space<vmem_shared>>) dst(%dma_wait3A_32 : memref<640x128xf32, #tpu.memory_space<hbm>>)
      tpu.yield
    }) : () -> ()
    return
  }
}

#map = affine_map<(d0, d1) -> (0, 0)>
#map1 = affine_map<(d0, d1) -> (0, 0, 0)>
module attributes {stable_mosaic.version = 14 : i64} {
  func.func @_msg_body(%arg0: i32, %arg1: i32, %arg2: memref<10240x128xf32, #tpu.memory_space<hbm>>, %arg3: memref<4000x80xi32, #tpu.memory_space<hbm>>, %arg4: memref<4000x80xi32, #tpu.memory_space<hbm>>, %arg5: memref<2x10240x128xf32, #tpu.memory_space<hbm>>, %arg6: memref<80xi32, #tpu.memory_space<vmem>>, %arg7: memref<80xi32, #tpu.memory_space<vmem>>, %arg8: memref<80x128xf32, #tpu.memory_space<vmem>>, %arg9: memref<10240x128xf32, #tpu.memory_space<vmem_shared>>, %arg10: memref<!tpu.dma_semaphore, #tpu.memory_space<semaphore_mem>>) attributes {dimension_semantics = [#tpu.dimension_semantics<core_parallel>, #tpu.dimension_semantics<subcore_parallel>], iteration_bounds = array<i64: 2, 16>, scalar_prefetch = 0 : i64, scratch_operands = 5 : i64, tpu.core_type = #tpu.core_type<sc_vector_subcore>, window_params = [{transform_indices = #map}, {transform_indices = #map}, {transform_indices = #map}, {transform_indices = #map1}]} {
    %mul3A = arith.constant 2 : i32
    %mul3A_0 = arith.muli %arg1, %mul3A : i32
    %add3A = arith.addi %mul3A_0, %arg0 : i32
    %broadcast_in_dim3A = arith.constant 0.000000e+00 : f32
    %broadcast_in_dim3A_1 = vector.broadcast %broadcast_in_dim3A : f32 to vector<16xf32>
    %scan3A = arith.constant 0 : i32
    %scan3A_2 = arith.constant 0 : i32
    %scan3A_3 = arith.constant 80 : i32
    %scan3A_4 = arith.addi %scan3A_2, %scan3A_3 : i32
    %scan3A_5 = arith.constant 1 : i32
    %scan3A_6 = scf.for %scan3A_27 = %scan3A_2 to %scan3A_4 step %scan3A_5 iter_args(%scan3A_28 = %scan3A) -> (i32)  : i32 {
      %swap3A = arith.index_cast %scan3A_27 : i32 to index
      %swap3A_29 = arith.constant 0 : index
      %swap3A_30 = tpu.vector_load %arg8[%swap3A, %swap3A_29] {strides = array<i32>} : memref<80x128xf32, #tpu.memory_space<vmem>>, vector<1x16xf32>,
      %swap3A_31 = vector.shape_cast %swap3A_30 : vector<1x16xf32> to vector<16xf32>
      %swap3A_32 = vector.shape_cast %broadcast_in_dim3A_1 : vector<16xf32> to vector<1x16xf32>
      tpu.vector_store %arg8[%swap3A, %swap3A_29], %swap3A_32 {strides = array<i32>} : memref<80x128xf32, #tpu.memory_space<vmem>>, vector<1x16xf32>,
      %swap3A_33 = arith.index_cast %scan3A_27 : i32 to index
      %swap3A_34 = arith.constant 16 : index
      %swap3A_35 = tpu.vector_load %arg8[%swap3A_33, %swap3A_34] {strides = array<i32>} : memref<80x128xf32, #tpu.memory_space<vmem>>, vector<1x16xf32>,
      %swap3A_36 = vector.shape_cast %swap3A_35 : vector<1x16xf32> to vector<16xf32>
      %swap3A_37 = vector.shape_cast %broadcast_in_dim3A_1 : vector<16xf32> to vector<1x16xf32>
      tpu.vector_store %arg8[%swap3A_33, %swap3A_34], %swap3A_37 {strides = array<i32>} : memref<80x128xf32, #tpu.memory_space<vmem>>, vector<1x16xf32>,
      %swap3A_38 = arith.index_cast %scan3A_27 : i32 to index
      %swap3A_39 = arith.constant 32 : index
      %swap3A_40 = tpu.vector_load %arg8[%swap3A_38, %swap3A_39] {strides = array<i32>} : memref<80x128xf32, #tpu.memory_space<vmem>>, vector<1x16xf32>,
      %swap3A_41 = vector.shape_cast %swap3A_40 : vector<1x16xf32> to vector<16xf32>
      %swap3A_42 = vector.shape_cast %broadcast_in_dim3A_1 : vector<16xf32> to vector<1x16xf32>
      tpu.vector_store %arg8[%swap3A_38, %swap3A_39], %swap3A_42 {strides = array<i32>} : memref<80x128xf32, #tpu.memory_space<vmem>>, vector<1x16xf32>,
      %swap3A_43 = arith.index_cast %scan3A_27 : i32 to index
      %swap3A_44 = arith.constant 48 : index
      %swap3A_45 = tpu.vector_load %arg8[%swap3A_43, %swap3A_44] {strides = array<i32>} : memref<80x128xf32, #tpu.memory_space<vmem>>, vector<1x16xf32>,
      %swap3A_46 = vector.shape_cast %swap3A_45 : vector<1x16xf32> to vector<16xf32>
      %swap3A_47 = vector.shape_cast %broadcast_in_dim3A_1 : vector<16xf32> to vector<1x16xf32>
      tpu.vector_store %arg8[%swap3A_43, %swap3A_44], %swap3A_47 {strides = array<i32>} : memref<80x128xf32, #tpu.memory_space<vmem>>, vector<1x16xf32>,
      %swap3A_48 = arith.index_cast %scan3A_27 : i32 to index
      %swap3A_49 = arith.constant 64 : index
      %swap3A_50 = tpu.vector_load %arg8[%swap3A_48, %swap3A_49] {strides = array<i32>} : memref<80x128xf32, #tpu.memory_space<vmem>>, vector<1x16xf32>,
      %swap3A_51 = vector.shape_cast %swap3A_50 : vector<1x16xf32> to vector<16xf32>
      %swap3A_52 = vector.shape_cast %broadcast_in_dim3A_1 : vector<16xf32> to vector<1x16xf32>
      tpu.vector_store %arg8[%swap3A_48, %swap3A_49], %swap3A_52 {strides = array<i32>} : memref<80x128xf32, #tpu.memory_space<vmem>>, vector<1x16xf32>,
      %swap3A_53 = arith.index_cast %scan3A_27 : i32 to index
      %swap3A_54 = arith.constant 80 : index
      %swap3A_55 = tpu.vector_load %arg8[%swap3A_53, %swap3A_54] {strides = array<i32>} : memref<80x128xf32, #tpu.memory_space<vmem>>, vector<1x16xf32>,
      %swap3A_56 = vector.shape_cast %swap3A_55 : vector<1x16xf32> to vector<16xf32>
      %swap3A_57 = vector.shape_cast %broadcast_in_dim3A_1 : vector<16xf32> to vector<1x16xf32>
      tpu.vector_store %arg8[%swap3A_53, %swap3A_54], %swap3A_57 {strides = array<i32>} : memref<80x128xf32, #tpu.memory_space<vmem>>, vector<1x16xf32>,
      %swap3A_58 = arith.index_cast %scan3A_27 : i32 to index
      %swap3A_59 = arith.constant 96 : index
      %swap3A_60 = tpu.vector_load %arg8[%swap3A_58, %swap3A_59] {strides = array<i32>} : memref<80x128xf32, #tpu.memory_space<vmem>>, vector<1x16xf32>,
      %swap3A_61 = vector.shape_cast %swap3A_60 : vector<1x16xf32> to vector<16xf32>
      %swap3A_62 = vector.shape_cast %broadcast_in_dim3A_1 : vector<16xf32> to vector<1x16xf32>
      tpu.vector_store %arg8[%swap3A_58, %swap3A_59], %swap3A_62 {strides = array<i32>} : memref<80x128xf32, #tpu.memory_space<vmem>>, vector<1x16xf32>,
      %swap3A_63 = arith.index_cast %scan3A_27 : i32 to index
      %swap3A_64 = arith.constant 112 : index
      %swap3A_65 = tpu.vector_load %arg8[%swap3A_63, %swap3A_64] {strides = array<i32>} : memref<80x128xf32, #tpu.memory_space<vmem>>, vector<1x16xf32>,
      %swap3A_66 = vector.shape_cast %swap3A_65 : vector<1x16xf32> to vector<16xf32>
      %swap3A_67 = vector.shape_cast %broadcast_in_dim3A_1 : vector<16xf32> to vector<1x16xf32>
      tpu.vector_store %arg8[%swap3A_63, %swap3A_64], %swap3A_67 {strides = array<i32>} : memref<80x128xf32, #tpu.memory_space<vmem>>, vector<1x16xf32>,
      %scan3A_68 = arith.constant 0 : i32
      scf.yield %scan3A_68 : i32
    }
    %scan3A_7 = arith.constant 80 : i32
    %scan3A_8 = arith.constant 0 : i32
    %scan3A_9 = arith.constant 0 : i32
    %scan3A_10 = arith.constant 8 : i32
    %scan3A_11 = arith.addi %scan3A_9, %scan3A_10 : i32
    %scan3A_12 = arith.constant 1 : i32
    %scan3A_13 = scf.for %scan3A_27 = %scan3A_9 to %scan3A_11 step %scan3A_12 iter_args(%scan3A_28 = %scan3A_8) -> (i32)  : i32 {
      %mul3A_29 = arith.constant 640 : i32
      %mul3A_30 = arith.muli %arg1, %mul3A_29 : i32
      %mul3A_31 = arith.constant 80 : i32
      %mul3A_32 = arith.muli %scan3A_27, %mul3A_31 : i32
      %add3A_33 = arith.addi %mul3A_30, %mul3A_32 : i32
      "tpu.region"() ({
        %run_scoped3A = tpu.sem_alloc : memref<!tpu.dma_semaphore, #tpu.memory_space<semaphore_mem>>
        %dma_start3A = arith.constant 0 : i32
        %dma_start3A_35 = tpu.memref_slice %arg9[%add3A_33, %dma_start3A] : memref<10240x128xf32, #tpu.memory_space<vmem_shared>> -> memref<80x128xf32, #tpu.memory_space<vmem_shared>>
        %dma_start3A_36 = arith.constant 0 : i32
        %dma_start3A_37 = tpu.memref_slice %arg9[%add3A_33, %dma_start3A_36] : memref<10240x128xf32, #tpu.memory_space<vmem_shared>> -> memref<80x128xf32, #tpu.memory_space<vmem_shared>>
        tpu.enqueue_dma source(%arg8 : memref<80x128xf32, #tpu.memory_space<vmem>>) target(%dma_start3A_37 : memref<80x128xf32, #tpu.memory_space<vmem_shared>>) target_semaphore(%run_scoped3A : memref<!tpu.dma_semaphore, #tpu.memory_space<semaphore_mem>>)
        %dma_wait3A = arith.constant 0 : i32
        %dma_wait3A_38 = tpu.memref_slice %arg9[%add3A_33, %dma_wait3A] : memref<10240x128xf32, #tpu.memory_space<vmem_shared>> -> memref<80x128xf32, #tpu.memory_space<vmem_shared>>
        %dma_wait3A_39 = arith.constant 0 : i32
        %dma_wait3A_40 = tpu.memref_slice %arg9[%add3A_33, %dma_wait3A_39] : memref<10240x128xf32, #tpu.memory_space<vmem_shared>> -> memref<80x128xf32, #tpu.memory_space<vmem_shared>>
        tpu.wait_dma2 semaphore(%run_scoped3A : memref<!tpu.dma_semaphore, #tpu.memory_space<semaphore_mem>>) src(%arg8 : memref<80x128xf32, #tpu.memory_space<vmem>>) dst(%dma_wait3A_40 : memref<80x128xf32, #tpu.memory_space<vmem_shared>>)
        tpu.yield
      }) : () -> ()
      %scan3A_34 = arith.constant 0 : i32
      scf.yield %scan3A_34 : i32
    }
    %scan3A_14 = arith.constant 8 : i32
    %barrier3A = arith.constant 0 : index
    tpu.barrier barrier_id(%barrier3A)
    %scan3A_15 = arith.constant 0 : i32
    %scan3A_16 = arith.constant 0 : i32
    %scan3A_17 = arith.constant 125 : i32
    %scan3A_18 = arith.addi %scan3A_16, %scan3A_17 : i32
    %scan3A_19 = arith.constant 1 : i32
    %scan3A_20 = scf.for %scan3A_27 = %scan3A_16 to %scan3A_18 step %scan3A_19 iter_args(%scan3A_28 = %scan3A_15) -> (i32)  : i32 {
      %mul3A_29 = arith.constant 125 : i32
      %mul3A_30 = arith.muli %add3A, %mul3A_29 : i32
      %add3A_31 = arith.addi %mul3A_30, %scan3A_27 : i32
      "tpu.region"() ({
        %run_scoped3A = tpu.sem_alloc : memref<!tpu.dma_semaphore, #tpu.memory_space<semaphore_mem>>
        %dma_start3A_37 = arith.constant 0 : i32
        %dma_start3A_38 = tpu.memref_slice %arg3[%add3A_31, %dma_start3A_37] : memref<4000x80xi32, #tpu.memory_space<hbm>> -> memref<1x80xi32, #tpu.memory_space<hbm>>
        %dma_start3A_39 = tpu.memref_squeeze %dma_start3A_38 : memref<1x80xi32, #tpu.memory_space<hbm>> -> memref<80xi32, #tpu.memory_space<hbm>>
        %dma_start3A_40 = arith.constant 0 : i32
        %dma_start3A_41 = tpu.memref_slice %arg3[%add3A_31, %dma_start3A_40] : memref<4000x80xi32, #tpu.memory_space<hbm>> -> memref<1x80xi32, #tpu.memory_space<hbm>>
        %dma_start3A_42 = tpu.memref_squeeze %dma_start3A_41 : memref<1x80xi32, #tpu.memory_space<hbm>> -> memref<80xi32, #tpu.memory_space<hbm>>
        tpu.enqueue_dma source(%dma_start3A_42 : memref<80xi32, #tpu.memory_space<hbm>>) target(%arg6 : memref<80xi32, #tpu.memory_space<vmem>>) target_semaphore(%run_scoped3A : memref<!tpu.dma_semaphore, #tpu.memory_space<semaphore_mem>>)
        %dma_wait3A_43 = arith.constant 0 : i32
        %dma_wait3A_44 = tpu.memref_slice %arg3[%add3A_31, %dma_wait3A_43] : memref<4000x80xi32, #tpu.memory_space<hbm>> -> memref<1x80xi32, #tpu.memory_space<hbm>>
        %dma_wait3A_45 = tpu.memref_squeeze %dma_wait3A_44 : memref<1x80xi32, #tpu.memory_space<hbm>> -> memref<80xi32, #tpu.memory_space<hbm>>
        %dma_wait3A_46 = arith.constant 0 : i32
        %dma_wait3A_47 = tpu.memref_slice %arg3[%add3A_31, %dma_wait3A_46] : memref<4000x80xi32, #tpu.memory_space<hbm>> -> memref<1x80xi32, #tpu.memory_space<hbm>>
        %dma_wait3A_48 = tpu.memref_squeeze %dma_wait3A_47 : memref<1x80xi32, #tpu.memory_space<hbm>> -> memref<80xi32, #tpu.memory_space<hbm>>
        tpu.wait_dma2 semaphore(%run_scoped3A : memref<!tpu.dma_semaphore, #tpu.memory_space<semaphore_mem>>) src(%dma_wait3A_48 : memref<80xi32, #tpu.memory_space<hbm>>) dst(%arg6 : memref<80xi32, #tpu.memory_space<vmem>>)
        tpu.yield
      }) : () -> ()
      %dma_start3A = arith.constant 0 : i32
      %dma_start3A_32 = arith.constant 0 : i32
      %dma_start3A_33 = tpu.memref_slice %arg2[%dma_start3A, %dma_start3A_32] : memref<10240x128xf32, #tpu.memory_space<hbm>> -> memref<10240x128xf32, #tpu.memory_space<hbm>>
      tpu.enqueue_indirect_dma source(%dma_start3A_33 : memref<10240x128xf32, #tpu.memory_space<hbm>>) target(%arg8 : memref<80x128xf32, #tpu.memory_space<vmem>>) offsets(%arg6 : memref<80xi32, #tpu.memory_space<vmem>>) semaphore(%arg10 : memref<!tpu.dma_semaphore, #tpu.memory_space<semaphore_mem>>)
      %dma_wait3A = arith.constant 0 : i32
      %dma_wait3A_34 = arith.constant 0 : i32
      %dma_wait3A_35 = tpu.memref_slice %arg2[%dma_wait3A, %dma_wait3A_34] : memref<10240x128xf32, #tpu.memory_space<hbm>> -> memref<10240x128xf32, #tpu.memory_space<hbm>>
      tpu.wait_indirect_dma semaphore(%arg10 : memref<!tpu.dma_semaphore, #tpu.memory_space<semaphore_mem>>) src(%dma_wait3A_35 : memref<10240x128xf32, #tpu.memory_space<hbm>>) dst(%arg8 : memref<80x128xf32, #tpu.memory_space<vmem>>)
      "tpu.region"() ({
        %run_scoped3A = tpu.sem_alloc : memref<!tpu.dma_semaphore, #tpu.memory_space<semaphore_mem>>
        %dma_start3A_37 = arith.constant 0 : i32
        %dma_start3A_38 = tpu.memref_slice %arg4[%add3A_31, %dma_start3A_37] : memref<4000x80xi32, #tpu.memory_space<hbm>> -> memref<1x80xi32, #tpu.memory_space<hbm>>
        %dma_start3A_39 = tpu.memref_squeeze %dma_start3A_38 : memref<1x80xi32, #tpu.memory_space<hbm>> -> memref<80xi32, #tpu.memory_space<hbm>>
        %dma_start3A_40 = arith.constant 0 : i32
        %dma_start3A_41 = tpu.memref_slice %arg4[%add3A_31, %dma_start3A_40] : memref<4000x80xi32, #tpu.memory_space<hbm>> -> memref<1x80xi32, #tpu.memory_space<hbm>>
        %dma_start3A_42 = tpu.memref_squeeze %dma_start3A_41 : memref<1x80xi32, #tpu.memory_space<hbm>> -> memref<80xi32, #tpu.memory_space<hbm>>
        tpu.enqueue_dma source(%dma_start3A_42 : memref<80xi32, #tpu.memory_space<hbm>>) target(%arg7 : memref<80xi32, #tpu.memory_space<vmem>>) target_semaphore(%run_scoped3A : memref<!tpu.dma_semaphore, #tpu.memory_space<semaphore_mem>>)
        %dma_wait3A_43 = arith.constant 0 : i32
        %dma_wait3A_44 = tpu.memref_slice %arg4[%add3A_31, %dma_wait3A_43] : memref<4000x80xi32, #tpu.memory_space<hbm>> -> memref<1x80xi32, #tpu.memory_space<hbm>>
        %dma_wait3A_45 = tpu.memref_squeeze %dma_wait3A_44 : memref<1x80xi32, #tpu.memory_space<hbm>> -> memref<80xi32, #tpu.memory_space<hbm>>
        %dma_wait3A_46 = arith.constant 0 : i32
        %dma_wait3A_47 = tpu.memref_slice %arg4[%add3A_31, %dma_wait3A_46] : memref<4000x80xi32, #tpu.memory_space<hbm>> -> memref<1x80xi32, #tpu.memory_space<hbm>>
        %dma_wait3A_48 = tpu.memref_squeeze %dma_wait3A_47 : memref<1x80xi32, #tpu.memory_space<hbm>> -> memref<80xi32, #tpu.memory_space<hbm>>
        tpu.wait_dma2 semaphore(%run_scoped3A : memref<!tpu.dma_semaphore, #tpu.memory_space<semaphore_mem>>) src(%dma_wait3A_48 : memref<80xi32, #tpu.memory_space<hbm>>) dst(%arg7 : memref<80xi32, #tpu.memory_space<vmem>>)
        tpu.yield
      }) : () -> ()
      "tpu.region"() ({
        %run_scoped3A = tpu.sem_alloc : memref<!tpu.dma_semaphore, #tpu.memory_space<semaphore_mem>>
        %dma_start3A_37 = arith.constant 0 : i32
        %dma_start3A_38 = arith.constant 0 : i32
        %dma_start3A_39 = tpu.memref_slice %arg9[%dma_start3A_37, %dma_start3A_38] : memref<10240x128xf32, #tpu.memory_space<vmem_shared>> -> memref<10240x128xf32, #tpu.memory_space<vmem_shared>>
        tpu.enqueue_indirect_dma source(%arg8 : memref<80x128xf32, #tpu.memory_space<vmem>>) target(%dma_start3A_39 : memref<10240x128xf32, #tpu.memory_space<vmem_shared>>) offsets(%arg7 : memref<80xi32, #tpu.memory_space<vmem>>) semaphore(%run_scoped3A : memref<!tpu.dma_semaphore, #tpu.memory_space<semaphore_mem>>) {add = true}
        %dma_wait3A_40 = arith.constant 0 : i32
        %dma_wait3A_41 = arith.constant 0 : i32
        %dma_wait3A_42 = tpu.memref_slice %arg9[%dma_wait3A_40, %dma_wait3A_41] : memref<10240x128xf32, #tpu.memory_space<vmem_shared>> -> memref<10240x128xf32, #tpu.memory_space<vmem_shared>>
        tpu.wait_indirect_dma semaphore(%run_scoped3A : memref<!tpu.dma_semaphore, #tpu.memory_space<semaphore_mem>>) src(%arg8 : memref<80x128xf32, #tpu.memory_space<vmem>>) dst(%dma_wait3A_42 : memref<10240x128xf32, #tpu.memory_space<vmem_shared>>)
        tpu.yield
      }) : () -> ()
      %scan3A_36 = arith.constant 0 : i32
      scf.yield %scan3A_36 : i32
    }
    %scan3A_21 = arith.constant 125 : i32
    %barrier3A_22 = arith.constant 0 : index
    tpu.barrier barrier_id(%barrier3A_22)
    %mul3A_23 = arith.constant 640 : i32
    %mul3A_24 = arith.muli %arg1, %mul3A_23 : i32
    %mul3A_25 = arith.constant 640 : i32
    %mul3A_26 = arith.muli %arg1, %mul3A_25 : i32
    "tpu.region"() ({
      %run_scoped3A = tpu.sem_alloc : memref<!tpu.dma_semaphore, #tpu.memory_space<semaphore_mem>>
      %dma_start3A = arith.constant 0 : i32
      %dma_start3A_27 = tpu.memref_slice %arg5[%arg0, %mul3A_26, %dma_start3A] : memref<2x10240x128xf32, #tpu.memory_space<hbm>> -> memref<1x640x128xf32, #tpu.memory_space<hbm>>
      %dma_start3A_28 = tpu.memref_squeeze %dma_start3A_27 : memref<1x640x128xf32, #tpu.memory_space<hbm>> -> memref<640x128xf32, #tpu.memory_space<hbm>>
      %dma_start3A_29 = arith.constant 0 : i32
      %dma_start3A_30 = tpu.memref_slice %arg9[%mul3A_24, %dma_start3A_29] : memref<10240x128xf32, #tpu.memory_space<vmem_shared>> -> memref<640x128xf32, #tpu.memory_space<vmem_shared>>
      tpu.enqueue_dma source(%dma_start3A_30 : memref<640x128xf32, #tpu.memory_space<vmem_shared>>) target(%dma_start3A_28 : memref<640x128xf32, #tpu.memory_space<hbm>>) target_semaphore(%run_scoped3A : memref<!tpu.dma_semaphore, #tpu.memory_space<semaphore_mem>>)
      %dma_wait3A = arith.constant 0 : i32
      %dma_wait3A_31 = tpu.memref_slice %arg5[%arg0, %mul3A_26, %dma_wait3A] : memref<2x10240x128xf32, #tpu.memory_space<hbm>> -> memref<1x640x128xf32, #tpu.memory_space<hbm>>
      %dma_wait3A_32 = tpu.memref_squeeze %dma_wait3A_31 : memref<1x640x128xf32, #tpu.memory_space<hbm>> -> memref<640x128xf32, #tpu.memory_space<hbm>>
      %dma_wait3A_33 = arith.constant 0 : i32
      %dma_wait3A_34 = tpu.memref_slice %arg9[%mul3A_24, %dma_wait3A_33] : memref<10240x128xf32, #tpu.memory_space<vmem_shared>> -> memref<640x128xf32, #tpu.memory_space<vmem_shared>>
      tpu.wait_dma2 semaphore(%run_scoped3A : memref<!tpu.dma_semaphore, #tpu.memory_space<semaphore_mem>>) src(%dma_wait3A_34 : memref<640x128xf32, #tpu.memory_space<vmem_shared>>) dst(%dma_wait3A_32 : memref<640x128xf32, #tpu.memory_space<hbm>>)
      tpu.yield
    }) : () -> ()
    return
  }
}

#map = affine_map<(d0, d1) -> (0, 0)>
#map1 = affine_map<(d0, d1) -> (0, 0, 0)>
module attributes {stable_mosaic.version = 14 : i64} {
  func.func @_deg_body(%arg0: i32, %arg1: i32, %arg2: memref<4000x80xi32, #tpu.memory_space<hbm>>, %arg3: memref<2x10240x128xf32, #tpu.memory_space<hbm>>, %arg4: memref<80xi32, #tpu.memory_space<vmem>>, %arg5: memref<80x128xf32, #tpu.memory_space<vmem>>, %arg6: memref<10240x128xf32, #tpu.memory_space<vmem_shared>>) attributes {dimension_semantics = [#tpu.dimension_semantics<core_parallel>, #tpu.dimension_semantics<subcore_parallel>], iteration_bounds = array<i64: 2, 16>, scalar_prefetch = 0 : i64, scratch_operands = 3 : i64, tpu.core_type = #tpu.core_type<sc_vector_subcore>, window_params = [{transform_indices = #map}, {transform_indices = #map1}]} {
    %mul3A = arith.constant 2 : i32
    %mul3A_0 = arith.muli %arg1, %mul3A : i32
    %add3A = arith.addi %mul3A_0, %arg0 : i32
    %broadcast_in_dim3A = arith.constant 0.000000e+00 : f32
    %broadcast_in_dim3A_1 = vector.broadcast %broadcast_in_dim3A : f32 to vector<16xf32>
    %scan3A = arith.constant 0 : i32
    %scan3A_2 = arith.constant 0 : i32
    %scan3A_3 = arith.constant 80 : i32
    %scan3A_4 = arith.addi %scan3A_2, %scan3A_3 : i32
    %scan3A_5 = arith.constant 1 : i32
    %scan3A_6 = scf.for %scan3A_36 = %scan3A_2 to %scan3A_4 step %scan3A_5 iter_args(%scan3A_37 = %scan3A) -> (i32)  : i32 {
      %swap3A = arith.index_cast %scan3A_36 : i32 to index
      %swap3A_38 = arith.constant 0 : index
      %swap3A_39 = tpu.vector_load %arg5[%swap3A, %swap3A_38] {strides = array<i32>} : memref<80x128xf32, #tpu.memory_space<vmem>>, vector<1x16xf32>,
      %swap3A_40 = vector.shape_cast %swap3A_39 : vector<1x16xf32> to vector<16xf32>
      %swap3A_41 = vector.shape_cast %broadcast_in_dim3A_1 : vector<16xf32> to vector<1x16xf32>
      tpu.vector_store %arg5[%swap3A, %swap3A_38], %swap3A_41 {strides = array<i32>} : memref<80x128xf32, #tpu.memory_space<vmem>>, vector<1x16xf32>,
      %swap3A_42 = arith.index_cast %scan3A_36 : i32 to index
      %swap3A_43 = arith.constant 16 : index
      %swap3A_44 = tpu.vector_load %arg5[%swap3A_42, %swap3A_43] {strides = array<i32>} : memref<80x128xf32, #tpu.memory_space<vmem>>, vector<1x16xf32>,
      %swap3A_45 = vector.shape_cast %swap3A_44 : vector<1x16xf32> to vector<16xf32>
      %swap3A_46 = vector.shape_cast %broadcast_in_dim3A_1 : vector<16xf32> to vector<1x16xf32>
      tpu.vector_store %arg5[%swap3A_42, %swap3A_43], %swap3A_46 {strides = array<i32>} : memref<80x128xf32, #tpu.memory_space<vmem>>, vector<1x16xf32>,
      %swap3A_47 = arith.index_cast %scan3A_36 : i32 to index
      %swap3A_48 = arith.constant 32 : index
      %swap3A_49 = tpu.vector_load %arg5[%swap3A_47, %swap3A_48] {strides = array<i32>} : memref<80x128xf32, #tpu.memory_space<vmem>>, vector<1x16xf32>,
      %swap3A_50 = vector.shape_cast %swap3A_49 : vector<1x16xf32> to vector<16xf32>
      %swap3A_51 = vector.shape_cast %broadcast_in_dim3A_1 : vector<16xf32> to vector<1x16xf32>
      tpu.vector_store %arg5[%swap3A_47, %swap3A_48], %swap3A_51 {strides = array<i32>} : memref<80x128xf32, #tpu.memory_space<vmem>>, vector<1x16xf32>,
      %swap3A_52 = arith.index_cast %scan3A_36 : i32 to index
      %swap3A_53 = arith.constant 48 : index
      %swap3A_54 = tpu.vector_load %arg5[%swap3A_52, %swap3A_53] {strides = array<i32>} : memref<80x128xf32, #tpu.memory_space<vmem>>, vector<1x16xf32>,
      %swap3A_55 = vector.shape_cast %swap3A_54 : vector<1x16xf32> to vector<16xf32>
      %swap3A_56 = vector.shape_cast %broadcast_in_dim3A_1 : vector<16xf32> to vector<1x16xf32>
      tpu.vector_store %arg5[%swap3A_52, %swap3A_53], %swap3A_56 {strides = array<i32>} : memref<80x128xf32, #tpu.memory_space<vmem>>, vector<1x16xf32>,
      %swap3A_57 = arith.index_cast %scan3A_36 : i32 to index
      %swap3A_58 = arith.constant 64 : index
      %swap3A_59 = tpu.vector_load %arg5[%swap3A_57, %swap3A_58] {strides = array<i32>} : memref<80x128xf32, #tpu.memory_space<vmem>>, vector<1x16xf32>,
      %swap3A_60 = vector.shape_cast %swap3A_59 : vector<1x16xf32> to vector<16xf32>
      %swap3A_61 = vector.shape_cast %broadcast_in_dim3A_1 : vector<16xf32> to vector<1x16xf32>
      tpu.vector_store %arg5[%swap3A_57, %swap3A_58], %swap3A_61 {strides = array<i32>} : memref<80x128xf32, #tpu.memory_space<vmem>>, vector<1x16xf32>,
      %swap3A_62 = arith.index_cast %scan3A_36 : i32 to index
      %swap3A_63 = arith.constant 80 : index
      %swap3A_64 = tpu.vector_load %arg5[%swap3A_62, %swap3A_63] {strides = array<i32>} : memref<80x128xf32, #tpu.memory_space<vmem>>, vector<1x16xf32>,
      %swap3A_65 = vector.shape_cast %swap3A_64 : vector<1x16xf32> to vector<16xf32>
      %swap3A_66 = vector.shape_cast %broadcast_in_dim3A_1 : vector<16xf32> to vector<1x16xf32>
      tpu.vector_store %arg5[%swap3A_62, %swap3A_63], %swap3A_66 {strides = array<i32>} : memref<80x128xf32, #tpu.memory_space<vmem>>, vector<1x16xf32>,
      %swap3A_67 = arith.index_cast %scan3A_36 : i32 to index
      %swap3A_68 = arith.constant 96 : index
      %swap3A_69 = tpu.vector_load %arg5[%swap3A_67, %swap3A_68] {strides = array<i32>} : memref<80x128xf32, #tpu.memory_space<vmem>>, vector<1x16xf32>,
      %swap3A_70 = vector.shape_cast %swap3A_69 : vector<1x16xf32> to vector<16xf32>
      %swap3A_71 = vector.shape_cast %broadcast_in_dim3A_1 : vector<16xf32> to vector<1x16xf32>
      tpu.vector_store %arg5[%swap3A_67, %swap3A_68], %swap3A_71 {strides = array<i32>} : memref<80x128xf32, #tpu.memory_space<vmem>>, vector<1x16xf32>,
      %swap3A_72 = arith.index_cast %scan3A_36 : i32 to index
      %swap3A_73 = arith.constant 112 : index
      %swap3A_74 = tpu.vector_load %arg5[%swap3A_72, %swap3A_73] {strides = array<i32>} : memref<80x128xf32, #tpu.memory_space<vmem>>, vector<1x16xf32>,
      %swap3A_75 = vector.shape_cast %swap3A_74 : vector<1x16xf32> to vector<16xf32>
      %swap3A_76 = vector.shape_cast %broadcast_in_dim3A_1 : vector<16xf32> to vector<1x16xf32>
      tpu.vector_store %arg5[%swap3A_72, %swap3A_73], %swap3A_76 {strides = array<i32>} : memref<80x128xf32, #tpu.memory_space<vmem>>, vector<1x16xf32>,
      %scan3A_77 = arith.constant 0 : i32
      scf.yield %scan3A_77 : i32
    }
    %scan3A_7 = arith.constant 80 : i32
    %scan3A_8 = arith.constant 0 : i32
    %scan3A_9 = arith.constant 0 : i32
    %scan3A_10 = arith.constant 8 : i32
    %scan3A_11 = arith.addi %scan3A_9, %scan3A_10 : i32
    %scan3A_12 = arith.constant 1 : i32
    %scan3A_13 = scf.for %scan3A_36 = %scan3A_9 to %scan3A_11 step %scan3A_12 iter_args(%scan3A_37 = %scan3A_8) -> (i32)  : i32 {
      %mul3A_38 = arith.constant 640 : i32
      %mul3A_39 = arith.muli %arg1, %mul3A_38 : i32
      %mul3A_40 = arith.constant 80 : i32
      %mul3A_41 = arith.muli %scan3A_36, %mul3A_40 : i32
      %add3A_42 = arith.addi %mul3A_39, %mul3A_41 : i32
      "tpu.region"() ({
        %run_scoped3A = tpu.sem_alloc : memref<!tpu.dma_semaphore, #tpu.memory_space<semaphore_mem>>
        %dma_start3A = arith.constant 0 : i32
        %dma_start3A_44 = tpu.memref_slice %arg6[%add3A_42, %dma_start3A] : memref<10240x128xf32, #tpu.memory_space<vmem_shared>> -> memref<80x128xf32, #tpu.memory_space<vmem_shared>>
        %dma_start3A_45 = arith.constant 0 : i32
        %dma_start3A_46 = tpu.memref_slice %arg6[%add3A_42, %dma_start3A_45] : memref<10240x128xf32, #tpu.memory_space<vmem_shared>> -> memref<80x128xf32, #tpu.memory_space<vmem_shared>>
        tpu.enqueue_dma source(%arg5 : memref<80x128xf32, #tpu.memory_space<vmem>>) target(%dma_start3A_46 : memref<80x128xf32, #tpu.memory_space<vmem_shared>>) target_semaphore(%run_scoped3A : memref<!tpu.dma_semaphore, #tpu.memory_space<semaphore_mem>>)
        %dma_wait3A = arith.constant 0 : i32
        %dma_wait3A_47 = tpu.memref_slice %arg6[%add3A_42, %dma_wait3A] : memref<10240x128xf32, #tpu.memory_space<vmem_shared>> -> memref<80x128xf32, #tpu.memory_space<vmem_shared>>
        %dma_wait3A_48 = arith.constant 0 : i32
        %dma_wait3A_49 = tpu.memref_slice %arg6[%add3A_42, %dma_wait3A_48] : memref<10240x128xf32, #tpu.memory_space<vmem_shared>> -> memref<80x128xf32, #tpu.memory_space<vmem_shared>>
        tpu.wait_dma2 semaphore(%run_scoped3A : memref<!tpu.dma_semaphore, #tpu.memory_space<semaphore_mem>>) src(%arg5 : memref<80x128xf32, #tpu.memory_space<vmem>>) dst(%dma_wait3A_49 : memref<80x128xf32, #tpu.memory_space<vmem_shared>>)
        tpu.yield
      }) : () -> ()
      %scan3A_43 = arith.constant 0 : i32
      scf.yield %scan3A_43 : i32
    }
    %scan3A_14 = arith.constant 8 : i32
    %barrier3A = arith.constant 0 : index
    tpu.barrier barrier_id(%barrier3A)
    %broadcast_in_dim3A_15 = arith.constant 1.000000e+00 : f32
    %broadcast_in_dim3A_16 = vector.broadcast %broadcast_in_dim3A_15 : f32 to vector<16xf32>
    %scan3A_17 = arith.constant 0 : i32
    %scan3A_18 = arith.constant 0 : i32
    %scan3A_19 = arith.constant 80 : i32
    %scan3A_20 = arith.addi %scan3A_18, %scan3A_19 : i32
    %scan3A_21 = arith.constant 1 : i32
    %scan3A_22 = scf.for %scan3A_36 = %scan3A_18 to %scan3A_20 step %scan3A_21 iter_args(%scan3A_37 = %scan3A_17) -> (i32)  : i32 {
      %swap3A = arith.index_cast %scan3A_36 : i32 to index
      %swap3A_38 = arith.constant 0 : index
      %swap3A_39 = tpu.vector_load %arg5[%swap3A, %swap3A_38] {strides = array<i32>} : memref<80x128xf32, #tpu.memory_space<vmem>>, vector<1x16xf32>,
      %swap3A_40 = vector.shape_cast %swap3A_39 : vector<1x16xf32> to vector<16xf32>
      %swap3A_41 = vector.shape_cast %broadcast_in_dim3A_16 : vector<16xf32> to vector<1x16xf32>
      tpu.vector_store %arg5[%swap3A, %swap3A_38], %swap3A_41 {strides = array<i32>} : memref<80x128xf32, #tpu.memory_space<vmem>>, vector<1x16xf32>,
      %swap3A_42 = arith.index_cast %scan3A_36 : i32 to index
      %swap3A_43 = arith.constant 16 : index
      %swap3A_44 = tpu.vector_load %arg5[%swap3A_42, %swap3A_43] {strides = array<i32>} : memref<80x128xf32, #tpu.memory_space<vmem>>, vector<1x16xf32>,
      %swap3A_45 = vector.shape_cast %swap3A_44 : vector<1x16xf32> to vector<16xf32>
      %swap3A_46 = vector.shape_cast %broadcast_in_dim3A_16 : vector<16xf32> to vector<1x16xf32>
      tpu.vector_store %arg5[%swap3A_42, %swap3A_43], %swap3A_46 {strides = array<i32>} : memref<80x128xf32, #tpu.memory_space<vmem>>, vector<1x16xf32>,
      %swap3A_47 = arith.index_cast %scan3A_36 : i32 to index
      %swap3A_48 = arith.constant 32 : index
      %swap3A_49 = tpu.vector_load %arg5[%swap3A_47, %swap3A_48] {strides = array<i32>} : memref<80x128xf32, #tpu.memory_space<vmem>>, vector<1x16xf32>,
      %swap3A_50 = vector.shape_cast %swap3A_49 : vector<1x16xf32> to vector<16xf32>
      %swap3A_51 = vector.shape_cast %broadcast_in_dim3A_16 : vector<16xf32> to vector<1x16xf32>
      tpu.vector_store %arg5[%swap3A_47, %swap3A_48], %swap3A_51 {strides = array<i32>} : memref<80x128xf32, #tpu.memory_space<vmem>>, vector<1x16xf32>,
      %swap3A_52 = arith.index_cast %scan3A_36 : i32 to index
      %swap3A_53 = arith.constant 48 : index
      %swap3A_54 = tpu.vector_load %arg5[%swap3A_52, %swap3A_53] {strides = array<i32>} : memref<80x128xf32, #tpu.memory_space<vmem>>, vector<1x16xf32>,
      %swap3A_55 = vector.shape_cast %swap3A_54 : vector<1x16xf32> to vector<16xf32>
      %swap3A_56 = vector.shape_cast %broadcast_in_dim3A_16 : vector<16xf32> to vector<1x16xf32>
      tpu.vector_store %arg5[%swap3A_52, %swap3A_53], %swap3A_56 {strides = array<i32>} : memref<80x128xf32, #tpu.memory_space<vmem>>, vector<1x16xf32>,
      %swap3A_57 = arith.index_cast %scan3A_36 : i32 to index
      %swap3A_58 = arith.constant 64 : index
      %swap3A_59 = tpu.vector_load %arg5[%swap3A_57, %swap3A_58] {strides = array<i32>} : memref<80x128xf32, #tpu.memory_space<vmem>>, vector<1x16xf32>,
      %swap3A_60 = vector.shape_cast %swap3A_59 : vector<1x16xf32> to vector<16xf32>
      %swap3A_61 = vector.shape_cast %broadcast_in_dim3A_16 : vector<16xf32> to vector<1x16xf32>
      tpu.vector_store %arg5[%swap3A_57, %swap3A_58], %swap3A_61 {strides = array<i32>} : memref<80x128xf32, #tpu.memory_space<vmem>>, vector<1x16xf32>,
      %swap3A_62 = arith.index_cast %scan3A_36 : i32 to index
      %swap3A_63 = arith.constant 80 : index
      %swap3A_64 = tpu.vector_load %arg5[%swap3A_62, %swap3A_63] {strides = array<i32>} : memref<80x128xf32, #tpu.memory_space<vmem>>, vector<1x16xf32>,
      %swap3A_65 = vector.shape_cast %swap3A_64 : vector<1x16xf32> to vector<16xf32>
      %swap3A_66 = vector.shape_cast %broadcast_in_dim3A_16 : vector<16xf32> to vector<1x16xf32>
      tpu.vector_store %arg5[%swap3A_62, %swap3A_63], %swap3A_66 {strides = array<i32>} : memref<80x128xf32, #tpu.memory_space<vmem>>, vector<1x16xf32>,
      %swap3A_67 = arith.index_cast %scan3A_36 : i32 to index
      %swap3A_68 = arith.constant 96 : index
      %swap3A_69 = tpu.vector_load %arg5[%swap3A_67, %swap3A_68] {strides = array<i32>} : memref<80x128xf32, #tpu.memory_space<vmem>>, vector<1x16xf32>,
      %swap3A_70 = vector.shape_cast %swap3A_69 : vector<1x16xf32> to vector<16xf32>
      %swap3A_71 = vector.shape_cast %broadcast_in_dim3A_16 : vector<16xf32> to vector<1x16xf32>
      tpu.vector_store %arg5[%swap3A_67, %swap3A_68], %swap3A_71 {strides = array<i32>} : memref<80x128xf32, #tpu.memory_space<vmem>>, vector<1x16xf32>,
      %swap3A_72 = arith.index_cast %scan3A_36 : i32 to index
      %swap3A_73 = arith.constant 112 : index
      %swap3A_74 = tpu.vector_load %arg5[%swap3A_72, %swap3A_73] {strides = array<i32>} : memref<80x128xf32, #tpu.memory_space<vmem>>, vector<1x16xf32>,
      %swap3A_75 = vector.shape_cast %swap3A_74 : vector<1x16xf32> to vector<16xf32>
      %swap3A_76 = vector.shape_cast %broadcast_in_dim3A_16 : vector<16xf32> to vector<1x16xf32>
      tpu.vector_store %arg5[%swap3A_72, %swap3A_73], %swap3A_76 {strides = array<i32>} : memref<80x128xf32, #tpu.memory_space<vmem>>, vector<1x16xf32>,
      %scan3A_77 = arith.constant 0 : i32
      scf.yield %scan3A_77 : i32
    }
    %scan3A_23 = arith.constant 80 : i32
    %scan3A_24 = arith.constant 0 : i32
    %scan3A_25 = arith.constant 0 : i32
    %scan3A_26 = arith.constant 125 : i32
    %scan3A_27 = arith.addi %scan3A_25, %scan3A_26 : i32
    %scan3A_28 = arith.constant 1 : i32
    %scan3A_29 = scf.for %scan3A_36 = %scan3A_25 to %scan3A_27 step %scan3A_28 iter_args(%scan3A_37 = %scan3A_24) -> (i32)  : i32 {
      %mul3A_38 = arith.constant 125 : i32
      %mul3A_39 = arith.muli %add3A, %mul3A_38 : i32
      %add3A_40 = arith.addi %mul3A_39, %scan3A_36 : i32
      "tpu.region"() ({
        %run_scoped3A = tpu.sem_alloc : memref<!tpu.dma_semaphore, #tpu.memory_space<semaphore_mem>>
        %dma_start3A = arith.constant 0 : i32
        %dma_start3A_42 = tpu.memref_slice %arg2[%add3A_40, %dma_start3A] : memref<4000x80xi32, #tpu.memory_space<hbm>> -> memref<1x80xi32, #tpu.memory_space<hbm>>
        %dma_start3A_43 = tpu.memref_squeeze %dma_start3A_42 : memref<1x80xi32, #tpu.memory_space<hbm>> -> memref<80xi32, #tpu.memory_space<hbm>>
        %dma_start3A_44 = arith.constant 0 : i32
        %dma_start3A_45 = tpu.memref_slice %arg2[%add3A_40, %dma_start3A_44] : memref<4000x80xi32, #tpu.memory_space<hbm>> -> memref<1x80xi32, #tpu.memory_space<hbm>>
        %dma_start3A_46 = tpu.memref_squeeze %dma_start3A_45 : memref<1x80xi32, #tpu.memory_space<hbm>> -> memref<80xi32, #tpu.memory_space<hbm>>
        tpu.enqueue_dma source(%dma_start3A_46 : memref<80xi32, #tpu.memory_space<hbm>>) target(%arg4 : memref<80xi32, #tpu.memory_space<vmem>>) target_semaphore(%run_scoped3A : memref<!tpu.dma_semaphore, #tpu.memory_space<semaphore_mem>>)
        %dma_wait3A = arith.constant 0 : i32
        %dma_wait3A_47 = tpu.memref_slice %arg2[%add3A_40, %dma_wait3A] : memref<4000x80xi32, #tpu.memory_space<hbm>> -> memref<1x80xi32, #tpu.memory_space<hbm>>
        %dma_wait3A_48 = tpu.memref_squeeze %dma_wait3A_47 : memref<1x80xi32, #tpu.memory_space<hbm>> -> memref<80xi32, #tpu.memory_space<hbm>>
        %dma_wait3A_49 = arith.constant 0 : i32
        %dma_wait3A_50 = tpu.memref_slice %arg2[%add3A_40, %dma_wait3A_49] : memref<4000x80xi32, #tpu.memory_space<hbm>> -> memref<1x80xi32, #tpu.memory_space<hbm>>
        %dma_wait3A_51 = tpu.memref_squeeze %dma_wait3A_50 : memref<1x80xi32, #tpu.memory_space<hbm>> -> memref<80xi32, #tpu.memory_space<hbm>>
        tpu.wait_dma2 semaphore(%run_scoped3A : memref<!tpu.dma_semaphore, #tpu.memory_space<semaphore_mem>>) src(%dma_wait3A_51 : memref<80xi32, #tpu.memory_space<hbm>>) dst(%arg4 : memref<80xi32, #tpu.memory_space<vmem>>)
        tpu.yield
      }) : () -> ()
      "tpu.region"() ({
        %run_scoped3A = tpu.sem_alloc : memref<!tpu.dma_semaphore, #tpu.memory_space<semaphore_mem>>
        %dma_start3A = arith.constant 0 : i32
        %dma_start3A_42 = arith.constant 0 : i32
        %dma_start3A_43 = tpu.memref_slice %arg6[%dma_start3A, %dma_start3A_42] : memref<10240x128xf32, #tpu.memory_space<vmem_shared>> -> memref<10240x128xf32, #tpu.memory_space<vmem_shared>>
        tpu.enqueue_indirect_dma source(%arg5 : memref<80x128xf32, #tpu.memory_space<vmem>>) target(%dma_start3A_43 : memref<10240x128xf32, #tpu.memory_space<vmem_shared>>) offsets(%arg4 : memref<80xi32, #tpu.memory_space<vmem>>) semaphore(%run_scoped3A : memref<!tpu.dma_semaphore, #tpu.memory_space<semaphore_mem>>) {add = true}
        %dma_wait3A = arith.constant 0 : i32
        %dma_wait3A_44 = arith.constant 0 : i32
        %dma_wait3A_45 = tpu.memref_slice %arg6[%dma_wait3A, %dma_wait3A_44] : memref<10240x128xf32, #tpu.memory_space<vmem_shared>> -> memref<10240x128xf32, #tpu.memory_space<vmem_shared>>
        tpu.wait_indirect_dma semaphore(%run_scoped3A : memref<!tpu.dma_semaphore, #tpu.memory_space<semaphore_mem>>) src(%arg5 : memref<80x128xf32, #tpu.memory_space<vmem>>) dst(%dma_wait3A_45 : memref<10240x128xf32, #tpu.memory_space<vmem_shared>>)
        tpu.yield
      }) : () -> ()
      %scan3A_41 = arith.constant 0 : i32
      scf.yield %scan3A_41 : i32
    }
    %scan3A_30 = arith.constant 125 : i32
    %barrier3A_31 = arith.constant 0 : index
    tpu.barrier barrier_id(%barrier3A_31)
    %mul3A_32 = arith.constant 640 : i32
    %mul3A_33 = arith.muli %arg1, %mul3A_32 : i32
    %mul3A_34 = arith.constant 640 : i32
    %mul3A_35 = arith.muli %arg1, %mul3A_34 : i32
    "tpu.region"() ({
      %run_scoped3A = tpu.sem_alloc : memref<!tpu.dma_semaphore, #tpu.memory_space<semaphore_mem>>
      %dma_start3A = arith.constant 0 : i32
      %dma_start3A_36 = tpu.memref_slice %arg3[%arg0, %mul3A_35, %dma_start3A] : memref<2x10240x128xf32, #tpu.memory_space<hbm>> -> memref<1x640x128xf32, #tpu.memory_space<hbm>>
      %dma_start3A_37 = tpu.memref_squeeze %dma_start3A_36 : memref<1x640x128xf32, #tpu.memory_space<hbm>> -> memref<640x128xf32, #tpu.memory_space<hbm>>
      %dma_start3A_38 = arith.constant 0 : i32
      %dma_start3A_39 = tpu.memref_slice %arg6[%mul3A_33, %dma_start3A_38] : memref<10240x128xf32, #tpu.memory_space<vmem_shared>> -> memref<640x128xf32, #tpu.memory_space<vmem_shared>>
      tpu.enqueue_dma source(%dma_start3A_39 : memref<640x128xf32, #tpu.memory_space<vmem_shared>>) target(%dma_start3A_37 : memref<640x128xf32, #tpu.memory_space<hbm>>) target_semaphore(%run_scoped3A : memref<!tpu.dma_semaphore, #tpu.memory_space<semaphore_mem>>)
      %dma_wait3A = arith.constant 0 : i32
      %dma_wait3A_40 = tpu.memref_slice %arg3[%arg0, %mul3A_35, %dma_wait3A] : memref<2x10240x128xf32, #tpu.memory_space<hbm>> -> memref<1x640x128xf32, #tpu.memory_space<hbm>>
      %dma_wait3A_41 = tpu.memref_squeeze %dma_wait3A_40 : memref<1x640x128xf32, #tpu.memory_space<hbm>> -> memref<640x128xf32, #tpu.memory_space<hbm>>
      %dma_wait3A_42 = arith.constant 0 : i32
      %dma_wait3A_43 = tpu.memref_slice %arg6[%mul3A_33, %dma_wait3A_42] : memref<10240x128xf32, #tpu.memory_space<vmem_shared>> -> memref<640x128xf32, #tpu.memory_space<vmem_shared>>
      tpu.wait_dma2 semaphore(%run_scoped3A : memref<!tpu.dma_semaphore, #tpu.memory_space<semaphore_mem>>) src(%dma_wait3A_43 : memref<640x128xf32, #tpu.memory_space<vmem_shared>>) dst(%dma_wait3A_41 : memref<640x128xf32, #tpu.memory_space<hbm>>)
      tpu.yield
    }) : () -> ()
    return
  }
}

module attributes {stable_mosaic.version = 14 : i64} {
  func.func @_tc1_body(%arg0: i32, %arg1: memref<2x1024x128xf32, #tpu.memory_space<vmem>>, %arg2: memref<1024x128xf32, #tpu.memory_space<vmem>>, %arg3: memref<128x128xf32, #tpu.memory_space<vmem>>, %arg4: memref<1024x128xf32, #tpu.memory_space<vmem>>) attributes {dimension_semantics = [#tpu.dimension_semantics<arbitrary>], iteration_bounds = array<i64: 10>, scalar_prefetch = 0 : i64, scratch_operands = 0 : i64, tpu.core_type = #tpu.core_type<tc>, window_params = [{transform_indices = @transform_0, window_bounds = array<i64: 2, 1024, 128>}, {transform_indices = @transform_1, window_bounds = array<i64: 1024, 128>}, {pipeline_mode = #tpu.pipeline_mode<synchronous>, transform_indices = @transform_2, window_bounds = array<i64: 128, 128>}, {transform_indices = @transform_3, window_bounds = array<i64: 1024, 128>}]} {
    %get3A = arith.constant 0 : index
    %get3A_0 = arith.constant 0 : index
    %get3A_1 = arith.constant 0 : index
    %get3A_2 = vector.load %arg1[%get3A, %get3A_0, %get3A_1] : memref<2x1024x128xf32, #tpu.memory_space<vmem>>, vector<2x1024x128xf32>
    %slice3A = vector.extract_strided_slice %get3A_2 {offsets = [0, 0, 0], sizes = [1, 1024, 1], strides = [1, 1, 1]} : vector<2x1024x128xf32> to vector<1x1024x1xf32>
    %squeeze3A = vector.shape_cast %slice3A : vector<1x1024x1xf32> to vector<1024xf32>
    %add3A = arith.constant 1.000000e+00 : f32
    %add3A_3 = vector.broadcast %add3A : f32 to vector<1024xf32>
    %add3A_4 = arith.addf %add3A_3, %squeeze3A : vector<1024xf32>
    %slice3A_5 = vector.extract_strided_slice %get3A_2 {offsets = [1, 0, 0], sizes = [1, 1024, 1], strides = [1, 1, 1]} : vector<2x1024x128xf32> to vector<1x1024x1xf32>
    %squeeze3A_6 = vector.shape_cast %slice3A_5 : vector<1x1024x1xf32> to vector<1024xf32>
    %add3A_7 = arith.addf %add3A_4, %squeeze3A_6 : vector<1024xf32>
    %rsqrt3A = math.rsqrt %add3A_7 : vector<1024xf32>
    %get3A_8 = arith.constant 0 : index
    %get3A_9 = arith.constant 0 : index
    %get3A_10 = vector.load %arg2[%get3A_8, %get3A_9] : memref<1024x128xf32, #tpu.memory_space<vmem>>, vector<1024x128xf32>
    %get3A_11 = arith.constant 0 : index
    %get3A_12 = arith.constant 0 : index
    %get3A_13 = vector.load %arg3[%get3A_11, %get3A_12] : memref<128x128xf32, #tpu.memory_space<vmem>>, vector<128x128xf32>
    %dot_general3A = arith.constant dense<0.000000e+00> : vector<1024x128xf32>
    %dot_general3A_14 = tpu.matmul %get3A_10, %get3A_13, %dot_general3A {dimension_numbers = #tpu.dot_dimension_numbers<[1], [0], [0], [1], [0, 0, 1, 1], [], []>, transpose_lhs_hint = false} : vector<1024x128xf32>, vector<128x128xf32>, vector<1024x128xf32> -> vector<1024x128xf32>
    %broadcast_in_dim3A = vector.shape_cast %rsqrt3A : vector<1024xf32> to vector<1024x1xf32>
    %mul3A = vector.broadcast %broadcast_in_dim3A : vector<1024x1xf32> to vector<1024x128xf32>
    %mul3A_15 = arith.mulf %dot_general3A_14, %mul3A : vector<1024x128xf32>
    %swap3A = arith.constant 0 : index
    %swap3A_16 = arith.constant 0 : index
    %swap3A_17 = vector.load %arg4[%swap3A, %swap3A_16] : memref<1024x128xf32, #tpu.memory_space<vmem>>, vector<1024x128xf32>
    tpu.vector_store %arg4[%swap3A, %swap3A_16], %mul3A_15 {strides = array<i32>} : memref<1024x128xf32, #tpu.memory_space<vmem>>, vector<1024x128xf32>,
    return
  }
  func.func @transform_0(%arg0: i32) -> (i32, i32, i32) {
    %c0_i32 = arith.constant 0 : i32
    %c0_i32_0 = arith.constant 0 : i32
    %c0_i32_1 = arith.constant 0 : i32
    return %c0_i32, %arg0, %c0_i32_0 : i32, i32, i32
  }
  func.func @transform_1(%arg0: i32) -> (i32, i32) {
    %c0_i32 = arith.constant 0 : i32
    %c0_i32_0 = arith.constant 0 : i32
    return %arg0, %c0_i32 : i32, i32
  }
  func.func @transform_2(%arg0: i32) -> (i32, i32) {
    %c0_i32 = arith.constant 0 : i32
    %c0_i32_0 = arith.constant 0 : i32
    %c0_i32_1 = arith.constant 0 : i32
    return %c0_i32, %c0_i32_0 : i32, i32
  }
  func.func @transform_3(%arg0: i32) -> (i32, i32) {
    %c0_i32 = arith.constant 0 : i32
    %c0_i32_0 = arith.constant 0 : i32
    return %arg0, %c0_i32 : i32, i32
  }
}

module attributes {stable_mosaic.version = 14 : i64} {
  func.func @_tc2_body(%arg0: i32, %arg1: memref<2x1024x128xf32, #tpu.memory_space<vmem>>, %arg2: memref<2x1024x128xf32, #tpu.memory_space<vmem>>, %arg3: memref<1024x128xf32, #tpu.memory_space<vmem>>, %arg4: memref<128x128xf32, #tpu.memory_space<vmem>>, %arg5: memref<1x128xf32, #tpu.memory_space<vmem>>, %arg6: memref<1024x128xf32, #tpu.memory_space<vmem>>) attributes {dimension_semantics = [#tpu.dimension_semantics<arbitrary>], iteration_bounds = array<i64: 10>, scalar_prefetch = 0 : i64, scratch_operands = 0 : i64, tpu.core_type = #tpu.core_type<tc>, window_params = [{transform_indices = @transform_0, window_bounds = array<i64: 2, 1024, 128>}, {transform_indices = @transform_1, window_bounds = array<i64: 2, 1024, 128>}, {transform_indices = @transform_2, window_bounds = array<i64: 1024, 128>}, {pipeline_mode = #tpu.pipeline_mode<synchronous>, transform_indices = @transform_3, window_bounds = array<i64: 128, 128>}, {pipeline_mode = #tpu.pipeline_mode<synchronous>, transform_indices = @transform_4, window_bounds = array<i64: 1, 128>}, {transform_indices = @transform_5, window_bounds = array<i64: 1024, 128>}]} {
    %get3A = arith.constant 0 : index
    %get3A_0 = arith.constant 0 : index
    %get3A_1 = arith.constant 0 : index
    %get3A_2 = vector.load %arg1[%get3A, %get3A_0, %get3A_1] : memref<2x1024x128xf32, #tpu.memory_space<vmem>>, vector<2x1024x128xf32>
    %slice3A = vector.extract_strided_slice %get3A_2 {offsets = [0, 0, 0], sizes = [1, 1024, 1], strides = [1, 1, 1]} : vector<2x1024x128xf32> to vector<1x1024x1xf32>
    %squeeze3A = vector.shape_cast %slice3A : vector<1x1024x1xf32> to vector<1024xf32>
    %add3A = arith.constant 1.000000e+00 : f32
    %add3A_3 = vector.broadcast %add3A : f32 to vector<1024xf32>
    %add3A_4 = arith.addf %add3A_3, %squeeze3A : vector<1024xf32>
    %slice3A_5 = vector.extract_strided_slice %get3A_2 {offsets = [1, 0, 0], sizes = [1, 1024, 1], strides = [1, 1, 1]} : vector<2x1024x128xf32> to vector<1x1024x1xf32>
    %squeeze3A_6 = vector.shape_cast %slice3A_5 : vector<1x1024x1xf32> to vector<1024xf32>
    %add3A_7 = arith.addf %add3A_4, %squeeze3A_6 : vector<1024xf32>
    %rsqrt3A = math.rsqrt %add3A_7 : vector<1024xf32>
    %get3A_8 = arith.constant 0 : index
    %get3A_9 = arith.constant 0 : index
    %get3A_10 = arith.constant 0 : index
    %get3A_11 = vector.load %arg2[%get3A_8, %get3A_9, %get3A_10] : memref<2x1024x128xf32, #tpu.memory_space<vmem>>, vector<2x1024x128xf32>
    %slice3A_12 = vector.extract_strided_slice %get3A_11 {offsets = [0, 0, 0], sizes = [1, 1024, 128], strides = [1, 1, 1]} : vector<2x1024x128xf32> to vector<1x1024x128xf32>
    %squeeze3A_13 = vector.shape_cast %slice3A_12 : vector<1x1024x128xf32> to vector<1024x128xf32>
    %slice3A_14 = vector.extract_strided_slice %get3A_11 {offsets = [1, 0, 0], sizes = [1, 1024, 128], strides = [1, 1, 1]} : vector<2x1024x128xf32> to vector<1x1024x128xf32>
    %squeeze3A_15 = vector.shape_cast %slice3A_14 : vector<1x1024x128xf32> to vector<1024x128xf32>
    %add3A_16 = arith.addf %squeeze3A_13, %squeeze3A_15 : vector<1024x128xf32>
    %get3A_17 = arith.constant 0 : index
    %get3A_18 = arith.constant 0 : index
    %get3A_19 = vector.load %arg3[%get3A_17, %get3A_18] : memref<1024x128xf32, #tpu.memory_space<vmem>>, vector<1024x128xf32>
    %add3A_20 = arith.addf %add3A_16, %get3A_19 : vector<1024x128xf32>
    %broadcast_in_dim3A = vector.shape_cast %rsqrt3A : vector<1024xf32> to vector<1024x1xf32>
    %mul3A = vector.broadcast %broadcast_in_dim3A : vector<1024x1xf32> to vector<1024x128xf32>
    %mul3A_21 = arith.mulf %mul3A, %add3A_20 : vector<1024x128xf32>
    %get3A_22 = arith.constant 0 : index
    %get3A_23 = arith.constant 0 : index
    %get3A_24 = vector.load %arg5[%get3A_22, %get3A_23] : memref<1x128xf32, #tpu.memory_space<vmem>>, vector<1x128xf32>
    %add3A_25 = vector.broadcast %get3A_24 : vector<1x128xf32> to vector<1024x128xf32>
    %add3A_26 = arith.addf %mul3A_21, %add3A_25 : vector<1024x128xf32>
    %max3A = arith.constant 0.000000e+00 : f32
    %max3A_27 = vector.broadcast %max3A : f32 to vector<1024x128xf32>
    %max3A_28 = arith.maximumf %add3A_26, %max3A_27 : vector<1024x128xf32>
    %get3A_29 = arith.constant 0 : index
    %get3A_30 = arith.constant 0 : index
    %get3A_31 = vector.load %arg4[%get3A_29, %get3A_30] : memref<128x128xf32, #tpu.memory_space<vmem>>, vector<128x128xf32>
    %dot_general3A = arith.constant dense<0.000000e+00> : vector<1024x128xf32>
    %dot_general3A_32 = tpu.matmul %max3A_28, %get3A_31, %dot_general3A {dimension_numbers = #tpu.dot_dimension_numbers<[1], [0], [0], [1], [0, 0, 1, 1], [], []>, transpose_lhs_hint = false} : vector<1024x128xf32>, vector<128x128xf32>, vector<1024x128xf32> -> vector<1024x128xf32>
    %broadcast_in_dim3A_33 = vector.shape_cast %rsqrt3A : vector<1024xf32> to vector<1024x1xf32>
    %mul3A_34 = vector.broadcast %broadcast_in_dim3A_33 : vector<1024x1xf32> to vector<1024x128xf32>
    %mul3A_35 = arith.mulf %dot_general3A_32, %mul3A_34 : vector<1024x128xf32>
    %swap3A = arith.constant 0 : index
    %swap3A_36 = arith.constant 0 : index
    %swap3A_37 = vector.load %arg6[%swap3A, %swap3A_36] : memref<1024x128xf32, #tpu.memory_space<vmem>>, vector<1024x128xf32>
    tpu.vector_store %arg6[%swap3A, %swap3A_36], %mul3A_35 {strides = array<i32>} : memref<1024x128xf32, #tpu.memory_space<vmem>>, vector<1024x128xf32>,
    return
  }
  func.func @transform_0(%arg0: i32) -> (i32, i32, i32) {
    %c0_i32 = arith.constant 0 : i32
    %c0_i32_0 = arith.constant 0 : i32
    %c0_i32_1 = arith.constant 0 : i32
    return %c0_i32, %arg0, %c0_i32_0 : i32, i32, i32
  }
  func.func @transform_1(%arg0: i32) -> (i32, i32, i32) {
    %c0_i32 = arith.constant 0 : i32
    %c0_i32_0 = arith.constant 0 : i32
    %c0_i32_1 = arith.constant 0 : i32
    return %c0_i32, %arg0, %c0_i32_0 : i32, i32, i32
  }
  func.func @transform_2(%arg0: i32) -> (i32, i32) {
    %c0_i32 = arith.constant 0 : i32
    %c0_i32_0 = arith.constant 0 : i32
    return %arg0, %c0_i32 : i32, i32
  }
  func.func @transform_3(%arg0: i32) -> (i32, i32) {
    %c0_i32 = arith.constant 0 : i32
    %c0_i32_0 = arith.constant 0 : i32
    %c0_i32_1 = arith.constant 0 : i32
    return %c0_i32, %c0_i32_0 : i32, i32
  }
  func.func @transform_4(%arg0: i32) -> (i32, i32) {
    %c0_i32 = arith.constant 0 : i32
    %c0_i32_0 = arith.constant 0 : i32
    %c0_i32_1 = arith.constant 0 : i32
    return %c0_i32, %c0_i32_0 : i32, i32
  }
  func.func @transform_5(%arg0: i32) -> (i32, i32) {
    %c0_i32 = arith.constant 0 : i32
    %c0_i32_0 = arith.constant 0 : i32
    return %arg0, %c0_i32 : i32, i32
  }
}

module attributes {stable_mosaic.version = 14 : i64} {
  func.func @_tc3_body(%arg0: i32, %arg1: memref<2x1024x128xf32, #tpu.memory_space<vmem>>, %arg2: memref<2x1024x128xf32, #tpu.memory_space<vmem>>, %arg3: memref<1024x128xf32, #tpu.memory_space<vmem>>, %arg4: memref<1x128xf32, #tpu.memory_space<vmem>>, %arg5: memref<1024x128xf32, #tpu.memory_space<vmem>>) attributes {dimension_semantics = [#tpu.dimension_semantics<arbitrary>], iteration_bounds = array<i64: 10>, scalar_prefetch = 0 : i64, scratch_operands = 0 : i64, tpu.core_type = #tpu.core_type<tc>, window_params = [{transform_indices = @transform_0, window_bounds = array<i64: 2, 1024, 128>}, {transform_indices = @transform_1, window_bounds = array<i64: 2, 1024, 128>}, {transform_indices = @transform_2, window_bounds = array<i64: 1024, 128>}, {pipeline_mode = #tpu.pipeline_mode<synchronous>, transform_indices = @transform_3, window_bounds = array<i64: 1, 128>}, {transform_indices = @transform_4, window_bounds = array<i64: 1024, 128>}]} {
    %get3A = arith.constant 0 : index
    %get3A_0 = arith.constant 0 : index
    %get3A_1 = arith.constant 0 : index
    %get3A_2 = vector.load %arg1[%get3A, %get3A_0, %get3A_1] : memref<2x1024x128xf32, #tpu.memory_space<vmem>>, vector<2x1024x128xf32>
    %slice3A = vector.extract_strided_slice %get3A_2 {offsets = [0, 0, 0], sizes = [1, 1024, 1], strides = [1, 1, 1]} : vector<2x1024x128xf32> to vector<1x1024x1xf32>
    %squeeze3A = vector.shape_cast %slice3A : vector<1x1024x1xf32> to vector<1024xf32>
    %add3A = arith.constant 1.000000e+00 : f32
    %add3A_3 = vector.broadcast %add3A : f32 to vector<1024xf32>
    %add3A_4 = arith.addf %add3A_3, %squeeze3A : vector<1024xf32>
    %slice3A_5 = vector.extract_strided_slice %get3A_2 {offsets = [1, 0, 0], sizes = [1, 1024, 1], strides = [1, 1, 1]} : vector<2x1024x128xf32> to vector<1x1024x1xf32>
    %squeeze3A_6 = vector.shape_cast %slice3A_5 : vector<1x1024x1xf32> to vector<1024xf32>
    %add3A_7 = arith.addf %add3A_4, %squeeze3A_6 : vector<1024xf32>
    %rsqrt3A = math.rsqrt %add3A_7 : vector<1024xf32>
    %get3A_8 = arith.constant 0 : index
    %get3A_9 = arith.constant 0 : index
    %get3A_10 = arith.constant 0 : index
    %get3A_11 = vector.load %arg2[%get3A_8, %get3A_9, %get3A_10] : memref<2x1024x128xf32, #tpu.memory_space<vmem>>, vector<2x1024x128xf32>
    %broadcast_in_dim3A = vector.shape_cast %rsqrt3A : vector<1024xf32> to vector<1024x1xf32>
    %slice3A_12 = vector.extract_strided_slice %get3A_11 {offsets = [0, 0, 0], sizes = [1, 1024, 128], strides = [1, 1, 1]} : vector<2x1024x128xf32> to vector<1x1024x128xf32>
    %squeeze3A_13 = vector.shape_cast %slice3A_12 : vector<1x1024x128xf32> to vector<1024x128xf32>
    %slice3A_14 = vector.extract_strided_slice %get3A_11 {offsets = [1, 0, 0], sizes = [1, 1024, 128], strides = [1, 1, 1]} : vector<2x1024x128xf32> to vector<1x1024x128xf32>
    %squeeze3A_15 = vector.shape_cast %slice3A_14 : vector<1x1024x128xf32> to vector<1024x128xf32>
    %add3A_16 = arith.addf %squeeze3A_13, %squeeze3A_15 : vector<1024x128xf32>
    %get3A_17 = arith.constant 0 : index
    %get3A_18 = arith.constant 0 : index
    %get3A_19 = vector.load %arg3[%get3A_17, %get3A_18] : memref<1024x128xf32, #tpu.memory_space<vmem>>, vector<1024x128xf32>
    %add3A_20 = arith.addf %add3A_16, %get3A_19 : vector<1024x128xf32>
    %mul3A = vector.broadcast %broadcast_in_dim3A : vector<1024x1xf32> to vector<1024x128xf32>
    %mul3A_21 = arith.mulf %mul3A, %add3A_20 : vector<1024x128xf32>
    %get3A_22 = arith.constant 0 : index
    %get3A_23 = arith.constant 0 : index
    %get3A_24 = vector.load %arg4[%get3A_22, %get3A_23] : memref<1x128xf32, #tpu.memory_space<vmem>>, vector<1x128xf32>
    %add3A_25 = vector.broadcast %get3A_24 : vector<1x128xf32> to vector<1024x128xf32>
    %add3A_26 = arith.addf %mul3A_21, %add3A_25 : vector<1024x128xf32>
    %reduce_max3A = arith.constant dense<0xFF800000> : vector<1024xf32>
    %reduce_max3A_27 = vector.multi_reduction <maximumf>, %add3A_26, %reduce_max3A [1] : vector<1024x128xf32> to vector<1024xf32>
    %broadcast_in_dim3A_28 = vector.shape_cast %reduce_max3A_27 : vector<1024xf32> to vector<1024x1xf32>
    %sub3A = vector.broadcast %broadcast_in_dim3A_28 : vector<1024x1xf32> to vector<1024x128xf32>
    %sub3A_29 = arith.subf %add3A_26, %sub3A : vector<1024x128xf32>
    %exp3A = math.exp %sub3A_29 : vector<1024x128xf32>
    %reduce_sum3A = arith.constant dense<0.000000e+00> : vector<1024xf32>
    %reduce_sum3A_30 = vector.multi_reduction <add>, %exp3A, %reduce_sum3A [1] : vector<1024x128xf32> to vector<1024xf32>
    %broadcast_in_dim3A_31 = vector.shape_cast %reduce_sum3A_30 : vector<1024xf32> to vector<1024x1xf32>
    %log3A = math.log %broadcast_in_dim3A_31 : vector<1024x1xf32>
    %sub3A_32 = vector.broadcast %log3A : vector<1024x1xf32> to vector<1024x128xf32>
    %sub3A_33 = arith.subf %sub3A_29, %sub3A_32 : vector<1024x128xf32>
    %swap3A = arith.constant 0 : index
    %swap3A_34 = arith.constant 0 : index
    %swap3A_35 = vector.load %arg5[%swap3A, %swap3A_34] : memref<1024x128xf32, #tpu.memory_space<vmem>>, vector<1024x128xf32>
    tpu.vector_store %arg5[%swap3A, %swap3A_34], %sub3A_33 {strides = array<i32>} : memref<1024x128xf32, #tpu.memory_space<vmem>>, vector<1024x128xf32>,
    return
  }
  func.func @transform_0(%arg0: i32) -> (i32, i32, i32) {
    %c0_i32 = arith.constant 0 : i32
    %c0_i32_0 = arith.constant 0 : i32
    %c0_i32_1 = arith.constant 0 : i32
    return %c0_i32, %arg0, %c0_i32_0 : i32, i32, i32
  }
  func.func @transform_1(%arg0: i32) -> (i32, i32, i32) {
    %c0_i32 = arith.constant 0 : i32
    %c0_i32_0 = arith.constant 0 : i32
    %c0_i32_1 = arith.constant 0 : i32
    return %c0_i32, %arg0, %c0_i32_0 : i32, i32, i32
  }
  func.func @transform_2(%arg0: i32) -> (i32, i32) {
    %c0_i32 = arith.constant 0 : i32
    %c0_i32_0 = arith.constant 0 : i32
    return %arg0, %c0_i32 : i32, i32
  }
  func.func @transform_3(%arg0: i32) -> (i32, i32) {
    %c0_i32 = arith.constant 0 : i32
    %c0_i32_0 = arith.constant 0 : i32
    %c0_i32_1 = arith.constant 0 : i32
    return %c0_i32, %c0_i32_0 : i32, i32
  }
  func.func @transform_4(%arg0: i32) -> (i32, i32) {
    %c0_i32 = arith.constant 0 : i32
    %c0_i32_0 = arith.constant 0 : i32
    return %arg0, %c0_i32 : i32, i32
  }
}

</mosaic_0001>

<sc_bundles>
// kernel: kernel.11.cloned.1.call-start
scs
__scs_entry_jumppad:
0x0: {  	(pc) =	sbr.rel $0x88, $3  }
0x1: {  	(tag) =	ssettag $0x0;
	lr =	simm.s32 $0x1  }
0x2: {  	[smem:$0x3F9B] =	sst lr;
	_ =	strace $0xD0000000  }
0x3: {  	_ = 	snop  }
0x4: {  	_ = 	snop  }
0x5: {  	_ = 	snop  }
0x6: {  	_ = 	snop  }
0x7: {  	_ = 	snop  }
__scs_overlays_trampoline_lowered:
0x8: {  	[smem:$0x3FAA] =	sst s0  }
0x9: {  	[smem:$0x3FAB] =	sst s1  }
0xa: {  	[smem:$0x3FAC] =	sst s2  }
0xb: {  	[smem:$0x3FAD] =	sst s3  }
0xc: {  	[smem:$0x3FAE] =	sst s4  }
0xd: {  	[smem:$0x3FAF] =	sst s5  }
0xe: {  	[smem:$0x3FB0] =	sst s6  }
0xf: {  	[smem:$0x3FB1] =	sst s7  }
0x10: {  	[smem:$0x3FB2] =	sst s8  }
0x11: {  	[smem:$0x3FB3] =	sst s9;
	s0 =	simm.s32 @!p0 $0x0  }
0x12: {  	s1 =	sld [smem:$0x3F99];
	s0 =	simm.s32 @p0 $0x1  }
0x13: {  	[smem:$0x3FB4] =	sst s0;
	s0 =	simm.s32 @!p1 $0x0  }
0x14: {  	s2 =	sld [smem:$0x3F98];
	s0 =	simm.s32 @p1 $0x1  }
0x15: {  	[smem:$0x3FB5] =	sst s0;
	s0 =	simm.s32 @!p2 $0x0  }
0x16: {  	s3 =	sld [smem:$0x3FDB];
	s0 =	simm.s32 @p2 $0x1  }
0x17: {  	s4 =	simm.s32 $0x1BF5;
	[smem:$0x3FB7] =	sst s0  }
0x18: {  	s0 =	sld [smem:$0x3F9A];
	_ =	swait.ge [sflag:s4], $0x0  }
0x19: {  	s7 =	sld [smem:$0x3F9B]  }
0x1a: {  	s8 =	sadd.s32 $0xFFFFE003, lr  }
0x1b: {  	s9 =	sadd.s32 $0xFFFFFEF7, lr;
	s5 =	simm.s32 $0xFFFFFFFF;
	p2 =	slt.u32 s8, $0xFFFFF086  }
0x1c: {  	p1 =	slt.u32 s9, $0xF7A;
	s5 =	simm.s32 @!p2 $0x0  }
0x1d: {  	s5 =	simm.s32 @p1 $0x1;
	p0 =	seq.s32 s7, s2  }
0x1e: {  	s7 =	smul.u32 @!p0 $0xF7A, s2;
	p2 =	seq.s32 @!p0 s5, $0x0  }
0x1f: {  	s9 =	smul.u32 $0xF7A, s1;
	s8 =	simm.s32 @!p0 $0x1BF5;
	p2 =	por !p2, p0  }
0x20: {  	[sflag:s8] =	ssyncset.s32 @!p0 $0xFFFFF086;
	s6 =	sadd.s32 @!p0 s3, s7;
	s7 =	simm.s32 @!p0 $0x108  }
0x21: {  	s3 =	sadd.s32 s3, s9;
	s6 =	sadd.s32 @!p0 $0x88, s6;
	s7 =	simm.s32 @p2 $0x1082  }
0x22: {  	[simem:s7], [sflag:s8] =	dma.local @!p0 [hbm:s6], $0xF7A  }
0x23: {  	s9 =	sor.u32 $0xD0000000, s2;
	s6 =	simm.s32 $0x108;
	_ =	swait.ge @!p0 [sflag:s8], $0x0  }
0x24: {  	s3 =	sadd.s32 $0x88, s3;
	s6 =	simm.s32 @!p1 $0x1082;
	[sflag:s4] =	ssyncset.s32 $0xFFFFF086  }
0x25: {  	[simem:s6], [sflag:s4] =	dma.local [hbm:s3], $0xF7A  }
0x26: {  	[smem:$0x3F9B] =	sst s1;
	(tag) =	ssettag s2;
	_ =	strace s9  }
0x27: {  	s1 =	sld [smem:$0x3FAB]  }
0x28: {  	s2 =	sld [smem:$0x3FAC]  }
0x29: {  	s4 =	sld [smem:$0x3FAE]  }
0x2a: {  	p0 =	seq.s32 s5, $0x0;
	s5 =	sld [smem:$0x3FAF]  }
0x2b: {  	s6 =	sld [smem:$0x3FB0]  }
0x2c: {  	s7 =	sld [smem:$0x3FB1]  }
0x2d: {  	s3 =	simm.s32 $0x108;
	s8 =	sld [smem:$0x3FB2]  }
0x2e: {  	s3 =	simm.s32 @!p0 $0x1082;
	s9 =	sld [smem:$0x3FB3]  }
0x2f: {  	lr =	sadd.s32 s0, s3;
	s0 =	sld [smem:$0x3FAA]  }
0x30: {  	s3 =	sld [smem:$0x3FAD]  }
0x31: {  	[smem:$0x3FB6] =	sst s10  }
0x32: {  	s10 =	sld [smem:$0x3FB4];
	_ =	sdelay $0x3  }
0x33: {  	p0 =	seq.s32 s10, $0x1;
	s10 =	sld [smem:$0x3FB6];
	_ =	sdelay $0x3  }
0x34: {  	[smem:$0x3FB6] =	sst s10  }
0x35: {  	s10 =	sld [smem:$0x3FB5];
	_ =	sdelay $0x3  }
0x36: {  	p1 =	seq.s32 s10, $0x1;
	s10 =	sld [smem:$0x3FB6];
	_ =	sdelay $0x3  }
0x37: {  	[smem:$0x3FB6] =	sst s10  }
0x38: {  	s10 =	sld [smem:$0x3FB7]  }
0x39: {  	_ = 	snop;
	(pc) =	sbr.ind lr, $3  }
0x3a: {  	_ = 	snop  }
0x3b: {  	_ = 	snop  }
0x3c: {  	p2 =	seq.s32 s10, $0x1;
	s10 =	sld [smem:$0x3FB6]  }
0x3d: {  	_ =	shalt  }
0x3e: {  	_ =	shalt  }
0x3f: {  	_ =	shalt  }
0x40: {  	_ =	shalt  }
0x41: {  	_ =	shalt  }
0x42: {  	_ =	shalt  }
0x43: {  	_ =	shalt  }
0x44: {  	_ =	shalt  }
0x45: {  	_ =	shalt  }
0x46: {  	_ =	shalt  }
0x47: {  	_ =	shalt  }
0x48: {  	_ =	shalt  }
0x49: {  	_ =	shalt  }
0x4a: {  	_ =	shalt  }
0x4b: {  	_ =	shalt  }
0x4c: {  	_ =	shalt  }
0x4d: {  	_ =	shalt  }
0x4e: {  	_ =	shalt  }
0x4f: {  	_ =	shalt  }
0x50: {  	_ =	shalt  }
0x51: {  	_ =	shalt  }
0x52: {  	_ =	shalt  }
0x53: {  	_ =	shalt  }
0x54: {  	_ =	shalt  }
0x55: {  	_ =	shalt  }
0x56: {  	_ =	shalt  }
0x57: {  	_ =	shalt  }
0x58: {  	_ =	shalt  }
0x59: {  	_ =	shalt  }
0x5a: {  	_ =	shalt  }
0x5b: {  	_ =	shalt  }
0x5c: {  	_ =	shalt  }
0x5d: {  	_ =	shalt  }
0x5e: {  	_ =	shalt  }
0x5f: {  	_ =	shalt  }
0x60: {  	_ =	shalt  }
0x61: {  	_ =	shalt  }
0x62: {  	_ =	shalt  }
0x63: {  	_ =	shalt  }
0x64: {  	_ =	shalt  }
0x65: {  	_ =	shalt  }
0x66: {  	_ =	shalt  }
0x67: {  	_ =	shalt  }
0x68: {  	_ =	shalt  }
0x69: {  	_ =	shalt  }
0x6a: {  	_ =	shalt  }
0x6b: {  	_ =	shalt  }
0x6c: {  	_ =	shalt  }
0x6d: {  	_ =	shalt  }
0x6e: {  	_ =	shalt  }
0x6f: {  	_ =	shalt  }
0x70: {  	_ =	shalt  }
0x71: {  	_ =	shalt  }
0x72: {  	_ =	shalt  }
0x73: {  	_ =	shalt  }
0x74: {  	_ =	shalt  }
0x75: {  	_ =	shalt  }
0x76: {  	_ =	shalt  }
0x77: {  	_ =	shalt  }
0x78: {  	_ =	shalt  }
0x79: {  	_ =	shalt  }
0x7a: {  	_ =	shalt  }
0x7b: {  	_ =	shalt  }
0x7c: {  	_ =	shalt  }
0x7d: {  	_ =	shalt  }
0x7e: {  	_ =	shalt  }
0x7f: {  	_ =	shalt  }
0x80: {  	_ =	shalt  }
0x81: {  	_ =	shalt  }
0x82: {  	_ =	shalt  }
0x83: {  	_ =	shalt  }
0x84: {  	_ =	shalt  }
0x85: {  	_ =	shalt  }
0x86: {  	_ =	shalt  }
0x87: {  	_ =	shalt  }
.Lfunc_end0:
.L_simem_size_0:
called_computation.1_lowered:
.L_overlay_start_0:
0x88: {  	s2 =	sld [smem:$0x3FD9]  }
0x89: {  	s3 =	sld [smem:$0x3FFE];
	_ =	sdelay $0x1  }
0x8a: {  	s1 =	srdreg.scid  }
0x8b: {  	s0 =	sand.u32 $0x1, s1  }
0x8c: {  	s16 =	sshll.u32 s0, $0xA;
	s2 =	sadd.s32 s3, s2  }
0x8d: {  	s2 =	sadd.s32 s2, s16  }
0x8e: {  	[smem:$0x3FC2] =	sst s2  }
0x8f: {  	_ = 	snop  }
0x90: {  	(tm) =	ssettm $0x1  }
0x91: {  	s17 =	sld [smem:$0x3FFB];
	_ =	sdelay $0x3  }
0x92: {  	_ =	strace s17  }
0x93: {  	s2 =	sld [smem:$0x3FFC];
	_ =	sdelay $0x3  }
0x94: {  	_ =	strace s2  }
0x95: {  	s2 =	sld [smem:$0x3FFD];
	_ =	sdelay $0x3  }
0x96: {  	_ =	strace s2  }
0x97: {  	_ =	strace $0x8FFFFFFF  }
0x98: {  	s18 =	sld [smem:$0x3FDB];
	_ =	sdelay $0x1  }
0x99: {  	s19 =	simm.s32 $_scs_section_size  }
0x9a: {  	s4 =	simm.s32 $_size__tile_overlayer_lowered;
	s5 =	simm.s32 $_tile_overlayer_lowered  }
0x9b: {  	s22 =	simm.s32 $0x1BFF;
	s21 =	sshll.u32 s5, $0x1;
	s2 =	sadd.s32 s19, s18  }
0x9c: {  	s6 =	simm.s32 $0x0;
	s20 =	sshll.u32 s4, $0x1;
	s4 =	sadd.s32 s21, s2  }
0x9d: {  	[timem:s6], [sflag:s22] =	dma.local [hbm:s4], s20  }
0x9e: {  	_ =	swait.ge [sflag:s22], s20  }
0x9f: {  	s3 =	ssub.s32 $0x0, s20;
	[sflag:s22] =	ssyncset.done $0x0  }
0xa0: {  	[sflag:s22] =	ssyncadd.s32 s3;
	_ =	sdelay $0x1  }
0xa1: {  	s23 =	simm.s32 $0x1B8B  }
0xa2: {  	_ =	swait.ge [sflag:s23], $0x1  }
0xa3: {  	[sflag:s23] =	ssyncset.done $0x0  }
0xa4: {  	s25 =	simm.s32 $0x1B8E;
	s24 =	sld [smem:$0x3FFE];
	[sflag:s23] =	ssyncadd.s32 $0xFFFFFFFF  }
0xa5: {  	s26 =	simm.s32 $execute0_lowered;
	[smem:$0x3FD2] =	sst s25  }
0xa6: {  	s4 =	sshll.u32 s26, $0x1;
	_ =	strace $0x80000049;
	[dreg:$0x1] =	wrdreg $0xFFFFFFFF  }
0xa7: {  	s28 =	simm.s32 $_size_execute0_lowered;
	s2 =	sadd.s32 s2, s4;
	[dreg:$0x0] =	wrdreg $0x0  }
0xa8: {  	s4 =	sshll.u32 s28, $0x1;
	[dreg:$0x2] =	wrdreg s2  }
0xa9: {  	[dreg:$0x3] =	wrdreg s4  }
0xaa: {  	[dreg:$0x4] =	wrdreg $0xC0  }
0xab: {  	_ =	task [dreg:s6], $0x5FFFF  }
0xac: {  	[dreg:$0x1] =	wrdreg $0xFFFFFFFF  }
0xad: {  	[dreg:$0x0] =	wrdreg $0x60  }
0xae: {  	[dreg:$0x2] =	wrdreg s24  }
0xaf: {  	[dreg:$0x3] =	wrdreg $0x29000  }
0xb0: {  	[dreg:$0x4] =	wrdreg $0x9  }
0xb1: {  	_ =	task.clear_ibuf [dreg:s6], $0x5FFFF;
	_ =	strace $0x90000049  }
0xb2: {  	s29 =	simm.s32 $0x9;
	_ =	strace $0x8000004B  }
0xb3: {  	_ =	swait.ge [sflag:s29], $0x1  }
0xb4: {  	[sflag:s29] =	ssyncadd.s32 $0xFFFFFFFF  }
0xb5: {  	_ =	strace $0x9000004B  }
0xb6: {  	_ =	sfence  }
0xb7: {  	s30 =	sld [smem:$0x0];
	_ =	sdelay $0x2  }
0xb8: {  	s31 =	sshll.u32 s1, $0xD;
	s1 =	sshrl.u32 s1, $0x2  }
0xb9: {  	s3 =	sand.u32 $0x4000, s31;
	s1 =	sadd.s32 s1, s30  }
0xba: {  	s0 =	sor.u32 s3, s0;
	s1 =	sshll.u32 s1, $0x11  }
0xbb: {  	s0 =	sor.u32 s1, s0  }
0xbc: {  	s0 =	sadd.s32 $0x8F2B, s0  }
0xbd: {  	[sflag:s0] =	ssyncadd.remote.s32 $0x1  }
0xbe: {  	_ =	sfence.sel $0xFFFF  }
0xbf: {  	[dreg:$0x0] =	wrdreg $0xFFFFFFFF;
	(pc) =	sbr.abs _section_cstart, $3  }
0xc0: {  	[dreg:$0x1] =	wrdreg $0xFFFFFFFF  }
0xc1: {  	_ =	task.clear_ibuf [dreg:s6], $0x2FFFF;
	_ =	strace $0x9FFFFFFF  }
0xc2: {  	(tm) =	ssettm $0x7FFFFFFF  }
0xc3: {  	_ =	shalt  }
tec
execute0_lowered:
.L_overlay_start_1:
0x0: {  	(tag) =	ssettag $0x1  }
0x1: {  	s5 =	rddreg [dreg:$0x0]  }
0x2: {  	s1 =	rddreg [dreg:$0x1];
	s2 =	srdreg.scid  }
0x3: {  	s0 =	rddreg [dreg:$0x2];
	s3 =	simm.s32 $0x0;
	s17 =	simm.s32 $0x100  }
0x4: {  	s18 =	simm.s32 $0x2;
	s19 =	simm.s32 $0x50;
	s9 =	sand.u32 $0x1, s2  }
0x5: {  	s20 =	simm.s32 $0x1;
	s2 =	stileid.u32;
	s6 =	smul.u32 $0x140000, s9  }
0x6: {  	s21 =	simm.s32 $0x80;
	s22 =	simm.s32 $0x0;
	s7 =	smul.u32 $0x14000, s2  }
0x7: {  	[smem:$0x7FF] =	sst s3;
	s4 =	sadd.s32 $0x11800, s5;
	s8 =	smul.u32 $0xFA0, s2  }
0x8: {  	_ =	strace $0x8000004A;
	s29 =	smul.u32 $0x50000, s2;
	s30 =	ssub.s32 $0x2, s9  }
0x9: {  	s15 =	smul.u32 $0x7D0, s9;
	s31 =	sshrl.u32 s30, $0x1;
	s6 =	sadd.s32 s7, s6  }
0xa: {  	s14 =	sadd.s32 s8, s5;
	s7 =	sshrl.u32 s29, $0x2;
	s6 =	sshrl.u32 s6, $0x3  }
0xb: {  	s8 =	ssub.s32 s30, s31;
	s16 =	sadd.s32 s15, s14;
	s5 =	sadd.s32 s6, s5  }
0xc: {  	s6 =	sadd.s32 s7, s1;
	s7 =	smax.u32 s8, $0x1;
	s15 =	sadd.s32 $0x61800, s16  }
0xd: {  	s16 =	sadd.s32 $0x1E00, s16;
	s5 =	sadd.s32 $0x71200, s5;
	s8 =	sadd.s32 $0x2800, s6  }
0xe: {  	s9 =	sadd.s32 $0x5000, s6;
	s10 =	sadd.s32 $0x7800, s6;
	s11 =	sadd.s32 $0xA000, s6  }
0xf: {  	v0 =	vimm.f32 $0.0e+00;
	s12 =	sadd.s32 $0xC800, s6;
	s13 =	sadd.s32 $0xF000, s6;
	s14 =	sadd.s32 $0x11800, s6  }
.LBB2_1:
0x10: {  	s23 =	simm.s32 $0x0;
	s24 =	simm.s32 $0x200  }
.LBB2_2:
0x11: {  	p0 =	sne.s32 s24, $0x9E00;
	[tilespmem:s23+$0x170] =	vst v0  }
0x12: {  	[tilespmem:s23+$0x100] =	vst v0  }
0x13: {  	[tilespmem:s23+$0x110] =	vst v0  }
.Ltmp0:
0x14: {  	[tilespmem:s23+$0x120] =	vst v0;
	(pc) =	sbr.rel @p0 .LBB2_2-.Ltmp0, $4  }
0x15: {  	[tilespmem:s23+$0x130] =	vst v0  }
0x16: {  	[tilespmem:s23+$0x140] =	vst v0  }
0x17: {  	[tilespmem:s23+$0x150] =	vst v0  }
0x18: {  	[tilespmem:s23+$0x160] =	vst v0;
	s23 =	sshra.s32 s24, $0x2;
	s24 =	sadd.s32 $0x200, s24  }
0x19: {  	[tilespmem:s23+$0x170] =	vst v0  }
0x1a: {  	[tilespmem:s23+$0x100] =	vst v0  }
0x1b: {  	[tilespmem:s23+$0x110] =	vst v0  }
0x1c: {  	[tilespmem:s23+$0x120] =	vst v0  }
0x1d: {  	[tilespmem:s23+$0x130] =	vst v0  }
0x1e: {  	[tilespmem:s23+$0x140] =	vst v0  }
0x1f: {  	[tilespmem:s23+$0x150] =	vst v0  }
0x20: {  	[tilespmem:s23+$0x160] =	vst v0  }
0x21: {  	[spmem:s6] =	stream.linear.scatter [tilespmem:s17], [sflag:$0x2], $0x2800, $0x38;
	[tilespmem:$0x16900] =	vst v63  }
0x22: {  	_ =	swait.ge [sflag:s18], $0x2800  }
0x23: {  	[sflag:s18] =	ssyncset.done $0x0  }
0x24: {  	[sflag:s18] =	ssyncadd.s32 $0xFFFFD800  }
0x25: {  	[spmem:s8] =	stream.linear.scatter [tilespmem:s17], [sflag:$0x2], $0x2800, $0x38;
	[tilespmem:$0x16900] =	vst v63  }
0x26: {  	_ =	swait.ge [sflag:s18], $0x2800  }
0x27: {  	[sflag:s18] =	ssyncset.done $0x0  }
0x28: {  	[sflag:s18] =	ssyncadd.s32 $0xFFFFD800  }
0x29: {  	[spmem:s9] =	stream.linear.scatter [tilespmem:s17], [sflag:$0x2], $0x2800, $0x38;
	[tilespmem:$0x16900] =	vst v63  }
0x2a: {  	_ =	swait.ge [sflag:s18], $0x2800  }
0x2b: {  	[sflag:s18] =	ssyncset.done $0x0  }
0x2c: {  	[sflag:s18] =	ssyncadd.s32 $0xFFFFD800  }
0x2d: {  	[spmem:s10] =	stream.linear.scatter [tilespmem:s17], [sflag:$0x2], $0x2800, $0x38;
	[tilespmem:$0x16900] =	vst v63  }
0x2e: {  	_ =	swait.ge [sflag:s18], $0x2800  }
0x2f: {  	[sflag:s18] =	ssyncset.done $0x0  }
0x30: {  	[sflag:s18] =	ssyncadd.s32 $0xFFFFD800  }
0x31: {  	[spmem:s11] =	stream.linear.scatter [tilespmem:s17], [sflag:$0x2], $0x2800, $0x38;
	[tilespmem:$0x16900] =	vst v63  }
0x32: {  	_ =	swait.ge [sflag:s18], $0x2800  }
0x33: {  	[sflag:s18] =	ssyncset.done $0x0  }
0x34: {  	[sflag:s18] =	ssyncadd.s32 $0xFFFFD800  }
0x35: {  	[spmem:s12] =	stream.linear.scatter [tilespmem:s17], [sflag:$0x2], $0x2800, $0x38;
	[tilespmem:$0x16900] =	vst v63  }
0x36: {  	_ =	swait.ge [sflag:s18], $0x2800  }
0x37: {  	[sflag:s18] =	ssyncset.done $0x0  }
0x38: {  	[sflag:s18] =	ssyncadd.s32 $0xFFFFD800  }
0x39: {  	[spmem:s13] =	stream.linear.scatter [tilespmem:s17], [sflag:$0x2], $0x2800, $0x38;
	[tilespmem:$0x16900] =	vst v63  }
0x3a: {  	_ =	swait.ge [sflag:s18], $0x2800  }
0x3b: {  	[sflag:s18] =	ssyncset.done $0x0  }
0x3c: {  	[sflag:s18] =	ssyncadd.s32 $0xFFFFD800  }
0x3d: {  	[spmem:s14] =	stream.linear.scatter [tilespmem:s17], [sflag:$0x2], $0x2800, $0x38;
	[tilespmem:$0x16900] =	vst v63  }
0x3e: {  	_ =	swait.ge [sflag:s18], $0x2800  }
0x3f: {  	[sflag:s18] =	ssyncset.done $0x0  }
0x40: {  	[sflag:s18] =	ssyncadd.s32 $0xFFFFD800  }
0x41: {  	s30 =	sadd.s32 $0x0, s15;
	[bflag:$0x0] =	sbarrier.arrive $0xFFFF  }
0x42: {  	[tilespmem:s3], [sflag:$0x2] =	stream.linear.gather [hbm4b:s30+s3], $0x80, $0x38;
	[tilespmem:$0x16900] =	vst v63  }
0x43: {  	_ =	swait.ge [sflag:s18], $0x80  }
0x44: {  	[sflag:s18] =	ssyncset.done $0x0  }
0x45: {  	[sflag:s18] =	ssyncadd.s32 $0xFFFFFF80  }
0x46: {  	[tilespmem:s17], [sflag:$0x1] =	stream.indirect.gather [hbm4b:s4+s19], $0x80, s3, s19, $0xb8;
	[tilespmem:$0x16900] =	vst v63  }
0x47: {  	_ =	swait.ge [sflag:s20], $0x2800  }
0x48: {  	[sflag:s20] =	ssyncset.done $0x0  }
0x49: {  	s31 =	sadd.s32 $0x0, s16;
	[sflag:s20] =	ssyncadd.s32 $0xFFFFD800  }
0x4a: {  	[tilespmem:s21], [sflag:$0x2] =	stream.linear.gather [hbm4b:s31+s3], $0x80, $0x38;
	[tilespmem:$0x16900] =	vst v63  }
0x4b: {  	_ =	swait.ge [sflag:s18], $0x80  }
0x4c: {  	[sflag:s18] =	ssyncset.done $0x0  }
0x4d: {  	[sflag:s18] =	ssyncadd.s32 $0xFFFFFF80  }
0x4e: {  	[spmem:s1] =	stream.indirect.scatter.add.f32 [tilespmem:s17], [sflag:$0x2], $0x80, s21, s19, $0xb8;
	[tilespmem:$0x16900] =	vst v63  }
0x4f: {  	_ =	swait.ge [sflag:s18], $0x2800  }
0x50: {  	s23 =	simm.s32 $0x10;
	s24 =	simm.s32 $0x20;
	[sflag:s18] =	ssyncset.done $0x0  }
.LBB2_4:
0x51: {  	s25 =	sadd.s32 s23, s15  }
0x52: {  	[sflag:s18] =	ssyncadd.s32 $0xFFFFD800;
	s26 =	smov.u32 s24;
	s28 =	sadd.s32 $0x10, s24  }
0x53: {  	[tilespmem:s3], [sflag:$0x2] =	stream.linear.gather [hbm4b:s25+s3], $0x80, $0x38;
	[tilespmem:$0x16900] =	vst v63  }
0x54: {  	p0 =	sne.s32 s24, $0x7C0;
	_ =	swait.ge [sflag:s18], $0x80  }
0x55: {  	[sflag:s18] =	ssyncset.done $0x0  }
0x56: {  	[sflag:s18] =	ssyncadd.s32 $0xFFFFFF80  }
0x57: {  	[tilespmem:s17], [sflag:$0x1] =	stream.indirect.gather [hbm4b:s4+s19], $0x80, s3, s19, $0xb8;
	[tilespmem:$0x16900] =	vst v63  }
0x58: {  	_ =	swait.ge [sflag:s20], $0x2800  }
0x59: {  	[sflag:s20] =	ssyncset.done $0x0  }
0x5a: {  	s24 =	sadd.s32 s23, s16;
	s23 =	smov.u32 s26;
	[sflag:s20] =	ssyncadd.s32 $0xFFFFD800  }
0x5b: {  	[tilespmem:s21], [sflag:$0x2] =	stream.linear.gather [hbm4b:s24+s3], $0x80, $0x38;
	[tilespmem:$0x16900] =	vst v63  }
0x5c: {  	_ =	swait.ge [sflag:s18], $0x80  }
.Ltmp1:
0x5d: {  	[sflag:s18] =	ssyncset.done $0x0;
	(pc) =	sbr.rel @p0 .LBB2_4-.Ltmp1, $4  }
0x5e: {  	[sflag:s18] =	ssyncadd.s32 $0xFFFFFF80  }
0x5f: {  	[spmem:s1] =	stream.indirect.scatter.add.f32 [tilespmem:s17], [sflag:$0x2], $0x80, s21, s19, $0xb8;
	[tilespmem:$0x16900] =	vst v63  }
0x60: {  	_ =	swait.ge [sflag:s18], $0x2800  }
0x61: {  	s24 =	smov.u32 s28;
	[sflag:s18] =	ssyncset.done $0x0  }
0x62: {  	s24 =	sadd.s32 s23, s15;
	[sflag:s18] =	ssyncadd.s32 $0xFFFFD800  }
0x63: {  	[tilespmem:s3], [sflag:$0x2] =	stream.linear.gather [hbm4b:s24+s3], $0x80, $0x38;
	[tilespmem:$0x16900] =	vst v63  }
0x64: {  	_ =	swait.ge [sflag:s18], $0x80  }
0x65: {  	[sflag:s18] =	ssyncset.done $0x0  }
0x66: {  	[sflag:s18] =	ssyncadd.s32 $0xFFFFFF80  }
0x67: {  	[tilespmem:s17], [sflag:$0x1] =	stream.indirect.gather [hbm4b:s4+s19], $0x80, s3, s19, $0xb8;
	[tilespmem:$0x16900] =	vst v63  }
0x68: {  	_ =	swait.ge [sflag:s20], $0x2800  }
0x69: {  	[sflag:s20] =	ssyncset.done $0x0  }
0x6a: {  	s29 =	sadd.s32 s23, s16;
	[sflag:s20] =	ssyncadd.s32 $0xFFFFD800  }
0x6b: {  	[tilespmem:s21], [sflag:$0x2] =	stream.linear.gather [hbm4b:s29+s3], $0x80, $0x38;
	[tilespmem:$0x16900] =	vst v63  }
0x6c: {  	_ =	swait.ge [sflag:s18], $0x80  }
0x6d: {  	[sflag:s18] =	ssyncset.done $0x0  }
0x6e: {  	[sflag:s18] =	ssyncadd.s32 $0xFFFFFF80  }
0x6f: {  	[spmem:s1] =	stream.indirect.scatter.add.f32 [tilespmem:s17], [sflag:$0x2], $0x80, s21, s19, $0xb8;
	[tilespmem:$0x16900] =	vst v63  }
0x70: {  	_ =	swait.ge [sflag:s18], $0x2800  }
0x71: {  	s30 =	sshll.u32 s2, $0x6;
	s22 =	sadd.s32 $0x1, s22;
	[sflag:s18] =	ssyncset.done $0x0  }
0x72: {  	s31 =	sshrl.u32 s6, $0x3;
	p0 =	sne.s32 s22, s7;
	[sflag:s18] =	ssyncadd.s32 $0xFFFFD800  }
.Ltmp2:
0x73: {  	s23 =	sor.u32 $0x1C02, s30;
	[bflag:$0x0] =	sbarrier.arrive $0xFFFF;
	(pc) =	sbr.rel @p0 .LBB2_1-.Ltmp2, $4  }
0x74: {  	[hbm:s5], [sflag:s23] =	dma.local [spmem:s31], $0x2800  }
0x75: {  	_ =	swait.ge [sflag:s18], $0x2800  }
0x76: {  	[sflag:s18] =	ssyncset.done $0x0  }
0x77: {  	[sflag:s18] =	ssyncadd.s32 $0xFFFFD800  }
0x78: {  	_ =	sfence.sel $0x180000  }
0x79: {  	[bflag:$0x0] =	sbarrier.arrive $0xFFFF  }
0x7a: {  	p0 =	sne.s32 s2, $0x0;
	_ =	strace $0x9000004A  }
0x7b: {  	s0 =	sadd.s32 @!p0 $0x100000, s0;
	[bflag:$0x2] =	sbarrier.arrive $0xFFFF  }
0x7c: {  	[sflag:s0] =	ssyncadd.tile.s32 @!p0 $0x1;
	_ =	shalt  }
.Lfunc_end2:
_tile_overlayer_lowered:
.L_overlay_start_2:
0x7d: {  	(tag) =	ssettag $0x2  }
0x7e: {  	s0 =	rddreg [dreg:$0x0];
	s2 =	stileid.u32  }
0x7f: {  	s1 =	rddreg [dreg:$0x1];
	p0 =	sne.s32 s2, $0x0  }
0x80: {  	s3 =	rddreg [dreg:$0x2];
	[bflag:$0x3] =	sbarrier.arrive $0xFFFF;
	s2 =	simm.s32 @!p0 $0x1C02  }
0x81: {  	[timem:s3], [sflag:s2] =	dma.local @!p0 [hbm:s0], s1  }
0x82: {  	s0 =	simm.s32 @!p0 $0x2  }
0x83: {  	_ =	swait.ge @!p0 [sflag:s0], s1  }
0x84: {  	s1 =	ssub.s32 @!p0 $0x0, s1;
	[sflag:s0] =	ssyncset.done @!p0 $0x0  }
0x85: {  	[sflag:s0] =	ssyncadd.s32 @!p0 s1  }
0x86: {  	[bflag:$0x3] =	sbarrier.arrive $0xFFFF  }
0x87: {  	_ =	shalt  }

// kernel: kernel.14.cloned.1.call-start
scs
__scs_entry_jumppad:
0x0: {  	(pc) =	sbr.rel $0x88, $3  }
0x1: {  	(tag) =	ssettag $0x0;
	lr =	simm.s32 $0x1  }
0x2: {  	[smem:$0x3F9B] =	sst lr;
	_ =	strace $0xD0000000  }
0x3: {  	_ = 	snop  }
0x4: {  	_ = 	snop  }
0x5: {  	_ = 	snop  }
0x6: {  	_ = 	snop  }
0x7: {  	_ = 	snop  }
__scs_overlays_trampoline_lowered:
0x8: {  	[smem:$0x3FAA] =	sst s0  }
0x9: {  	[smem:$0x3FAB] =	sst s1  }
0xa: {  	[smem:$0x3FAC] =	sst s2  }
0xb: {  	[smem:$0x3FAD] =	sst s3  }
0xc: {  	[smem:$0x3FAE] =	sst s4  }
0xd: {  	[smem:$0x3FAF] =	sst s5  }
0xe: {  	[smem:$0x3FB0] =	sst s6  }
0xf: {  	[smem:$0x3FB1] =	sst s7  }
0x10: {  	[smem:$0x3FB2] =	sst s8  }
0x11: {  	[smem:$0x3FB3] =	sst s9;
	s0 =	simm.s32 @!p0 $0x0  }
0x12: {  	s1 =	sld [smem:$0x3F99];
	s0 =	simm.s32 @p0 $0x1  }
0x13: {  	[smem:$0x3FB4] =	sst s0;
	s0 =	simm.s32 @!p1 $0x0  }
0x14: {  	s2 =	sld [smem:$0x3F98];
	s0 =	simm.s32 @p1 $0x1  }
0x15: {  	[smem:$0x3FB5] =	sst s0;
	s0 =	simm.s32 @!p2 $0x0  }
0x16: {  	s3 =	sld [smem:$0x3FDB];
	s0 =	simm.s32 @p2 $0x1  }
0x17: {  	s4 =	simm.s32 $0x1BF5;
	[smem:$0x3FB7] =	sst s0  }
0x18: {  	s0 =	sld [smem:$0x3F9A];
	_ =	swait.ge [sflag:s4], $0x0  }
0x19: {  	s7 =	sld [smem:$0x3F9B]  }
0x1a: {  	s8 =	sadd.s32 $0xFFFFE003, lr  }
0x1b: {  	s9 =	sadd.s32 $0xFFFFFEF7, lr;
	s5 =	simm.s32 $0xFFFFFFFF;
	p2 =	slt.u32 s8, $0xFFFFF086  }
0x1c: {  	p1 =	slt.u32 s9, $0xF7A;
	s5 =	simm.s32 @!p2 $0x0  }
0x1d: {  	s5 =	simm.s32 @p1 $0x1;
	p0 =	seq.s32 s7, s2  }
0x1e: {  	s7 =	smul.u32 @!p0 $0xF7A, s2;
	p2 =	seq.s32 @!p0 s5, $0x0  }
0x1f: {  	s9 =	smul.u32 $0xF7A, s1;
	s8 =	simm.s32 @!p0 $0x1BF5;
	p2 =	por !p2, p0  }
0x20: {  	[sflag:s8] =	ssyncset.s32 @!p0 $0xFFFFF086;
	s6 =	sadd.s32 @!p0 s3, s7;
	s7 =	simm.s32 @!p0 $0x108  }
0x21: {  	s3 =	sadd.s32 s3, s9;
	s6 =	sadd.s32 @!p0 $0x88, s6;
	s7 =	simm.s32 @p2 $0x1082  }
0x22: {  	[simem:s7], [sflag:s8] =	dma.local @!p0 [hbm:s6], $0xF7A  }
0x23: {  	s9 =	sor.u32 $0xD0000000, s2;
	s6 =	simm.s32 $0x108;
	_ =	swait.ge @!p0 [sflag:s8], $0x0  }
0x24: {  	s3 =	sadd.s32 $0x88, s3;
	s6 =	simm.s32 @!p1 $0x1082;
	[sflag:s4] =	ssyncset.s32 $0xFFFFF086  }
0x25: {  	[simem:s6], [sflag:s4] =	dma.local [hbm:s3], $0xF7A  }
0x26: {  	[smem:$0x3F9B] =	sst s1;
	(tag) =	ssettag s2;
	_ =	strace s9  }
0x27: {  	s1 =	sld [smem:$0x3FAB]  }
0x28: {  	s2 =	sld [smem:$0x3FAC]  }
0x29: {  	s4 =	sld [smem:$0x3FAE]  }
0x2a: {  	p0 =	seq.s32 s5, $0x0;
	s5 =	sld [smem:$0x3FAF]  }
0x2b: {  	s6 =	sld [smem:$0x3FB0]  }
0x2c: {  	s7 =	sld [smem:$0x3FB1]  }
0x2d: {  	s3 =	simm.s32 $0x108;
	s8 =	sld [smem:$0x3FB2]  }
0x2e: {  	s3 =	simm.s32 @!p0 $0x1082;
	s9 =	sld [smem:$0x3FB3]  }
0x2f: {  	lr =	sadd.s32 s0, s3;
	s0 =	sld [smem:$0x3FAA]  }
0x30: {  	s3 =	sld [smem:$0x3FAD]  }
0x31: {  	[smem:$0x3FB6] =	sst s10  }
0x32: {  	s10 =	sld [smem:$0x3FB4];
	_ =	sdelay $0x3  }
0x33: {  	p0 =	seq.s32 s10, $0x1;
	s10 =	sld [smem:$0x3FB6];
	_ =	sdelay $0x3  }
0x34: {  	[smem:$0x3FB6] =	sst s10  }
0x35: {  	s10 =	sld [smem:$0x3FB5];
	_ =	sdelay $0x3  }
0x36: {  	p1 =	seq.s32 s10, $0x1;
	s10 =	sld [smem:$0x3FB6];
	_ =	sdelay $0x3  }
0x37: {  	[smem:$0x3FB6] =	sst s10  }
0x38: {  	s10 =	sld [smem:$0x3FB7]  }
0x39: {  	_ = 	snop;
	(pc) =	sbr.ind lr, $3  }
0x3a: {  	_ = 	snop  }
0x3b: {  	_ = 	snop  }
0x3c: {  	p2 =	seq.s32 s10, $0x1;
	s10 =	sld [smem:$0x3FB6]  }
0x3d: {  	_ =	shalt  }
0x3e: {  	_ =	shalt  }
0x3f: {  	_ =	shalt  }
0x40: {  	_ =	shalt  }
0x41: {  	_ =	shalt  }
0x42: {  	_ =	shalt  }
0x43: {  	_ =	shalt  }
0x44: {  	_ =	shalt  }
0x45: {  	_ =	shalt  }
0x46: {  	_ =	shalt  }
0x47: {  	_ =	shalt  }
0x48: {  	_ =	shalt  }
0x49: {  	_ =	shalt  }
0x4a: {  	_ =	shalt  }
0x4b: {  	_ =	shalt  }
0x4c: {  	_ =	shalt  }
0x4d: {  	_ =	shalt  }
0x4e: {  	_ =	shalt  }
0x4f: {  	_ =	shalt  }
0x50: {  	_ =	shalt  }
0x51: {  	_ =	shalt  }
0x52: {  	_ =	shalt  }
0x53: {  	_ =	shalt  }
0x54: {  	_ =	shalt  }
0x55: {  	_ =	shalt  }
0x56: {  	_ =	shalt  }
0x57: {  	_ =	shalt  }
0x58: {  	_ =	shalt  }
0x59: {  	_ =	shalt  }
0x5a: {  	_ =	shalt  }
0x5b: {  	_ =	shalt  }
0x5c: {  	_ =	shalt  }
0x5d: {  	_ =	shalt  }
0x5e: {  	_ =	shalt  }
0x5f: {  	_ =	shalt  }
0x60: {  	_ =	shalt  }
0x61: {  	_ =	shalt  }
0x62: {  	_ =	shalt  }
0x63: {  	_ =	shalt  }
0x64: {  	_ =	shalt  }
0x65: {  	_ =	shalt  }
0x66: {  	_ =	shalt  }
0x67: {  	_ =	shalt  }
0x68: {  	_ =	shalt  }
0x69: {  	_ =	shalt  }
0x6a: {  	_ =	shalt  }
0x6b: {  	_ =	shalt  }
0x6c: {  	_ =	shalt  }
0x6d: {  	_ =	shalt  }
0x6e: {  	_ =	shalt  }
0x6f: {  	_ =	shalt  }
0x70: {  	_ =	shalt  }
0x71: {  	_ =	shalt  }
0x72: {  	_ =	shalt  }
0x73: {  	_ =	shalt  }
0x74: {  	_ =	shalt  }
0x75: {  	_ =	shalt  }
0x76: {  	_ =	shalt  }
0x77: {  	_ =	shalt  }
0x78: {  	_ =	shalt  }
0x79: {  	_ =	shalt  }
0x7a: {  	_ =	shalt  }
0x7b: {  	_ =	shalt  }
0x7c: {  	_ =	shalt  }
0x7d: {  	_ =	shalt  }
0x7e: {  	_ =	shalt  }
0x7f: {  	_ =	shalt  }
0x80: {  	_ =	shalt  }
0x81: {  	_ =	shalt  }
0x82: {  	_ =	shalt  }
0x83: {  	_ =	shalt  }
0x84: {  	_ =	shalt  }
0x85: {  	_ =	shalt  }
0x86: {  	_ =	shalt  }
0x87: {  	_ =	shalt  }
.Lfunc_end0:
.L_simem_size_0:
called_computation.2_lowered:
.L_overlay_start_0:
0x88: {  	s2 =	sld [smem:$0x3FD9]  }
0x89: {  	s3 =	sld [smem:$0x3FFE];
	_ =	sdelay $0x1  }
0x8a: {  	s1 =	srdreg.scid  }
0x8b: {  	s0 =	sand.u32 $0x1, s1  }
0x8c: {  	s16 =	sshll.u32 s0, $0xA;
	s2 =	sadd.s32 s3, s2  }
0x8d: {  	s2 =	sadd.s32 s2, s16  }
0x8e: {  	[smem:$0x3FC2] =	sst s2  }
0x8f: {  	_ = 	snop  }
0x90: {  	(tm) =	ssettm $0x1  }
0x91: {  	s17 =	sld [smem:$0x3FFB];
	_ =	sdelay $0x3  }
0x92: {  	_ =	strace s17  }
0x93: {  	s2 =	sld [smem:$0x3FFC];
	_ =	sdelay $0x3  }
0x94: {  	_ =	strace s2  }
0x95: {  	s2 =	sld [smem:$0x3FFD];
	_ =	sdelay $0x3  }
0x96: {  	_ =	strace s2  }
0x97: {  	_ =	strace $0x8FFFFFFF  }
0x98: {  	s18 =	sld [smem:$0x3FDB];
	_ =	sdelay $0x1  }
0x99: {  	s19 =	simm.s32 $_scs_section_size  }
0x9a: {  	s4 =	simm.s32 $_size__tile_overlayer_lowered;
	s5 =	simm.s32 $_tile_overlayer_lowered  }
0x9b: {  	s22 =	simm.s32 $0x1BFF;
	s21 =	sshll.u32 s5, $0x1;
	s2 =	sadd.s32 s19, s18  }
0x9c: {  	s6 =	simm.s32 $0x0;
	s20 =	sshll.u32 s4, $0x1;
	s4 =	sadd.s32 s21, s2  }
0x9d: {  	[timem:s6], [sflag:s22] =	dma.local [hbm:s4], s20  }
0x9e: {  	_ =	swait.ge [sflag:s22], s20  }
0x9f: {  	s3 =	ssub.s32 $0x0, s20;
	[sflag:s22] =	ssyncset.done $0x0  }
0xa0: {  	[sflag:s22] =	ssyncadd.s32 s3;
	_ =	sdelay $0x1  }
0xa1: {  	s23 =	simm.s32 $0x1B8B  }
0xa2: {  	_ =	swait.ge [sflag:s23], $0x1  }
0xa3: {  	[sflag:s23] =	ssyncset.done $0x0  }
0xa4: {  	s25 =	simm.s32 $0x1B8E;
	s24 =	sld [smem:$0x3FFE];
	[sflag:s23] =	ssyncadd.s32 $0xFFFFFFFF  }
0xa5: {  	s26 =	simm.s32 $execute0_lowered;
	[smem:$0x3FD2] =	sst s25  }
0xa6: {  	s4 =	sshll.u32 s26, $0x1;
	_ =	strace $0x8000004C;
	[dreg:$0x1] =	wrdreg $0xFFFFFFFF  }
0xa7: {  	s28 =	simm.s32 $_size_execute0_lowered;
	s2 =	sadd.s32 s2, s4;
	[dreg:$0x0] =	wrdreg $0x0  }
0xa8: {  	s4 =	sshll.u32 s28, $0x1;
	[dreg:$0x2] =	wrdreg s2  }
0xa9: {  	[dreg:$0x3] =	wrdreg s4  }
0xaa: {  	[dreg:$0x4] =	wrdreg $0xC0  }
0xab: {  	_ =	task [dreg:s6], $0x5FFFF  }
0xac: {  	[dreg:$0x1] =	wrdreg $0xFFFFFFFF  }
0xad: {  	[dreg:$0x0] =	wrdreg $0x60  }
0xae: {  	[dreg:$0x2] =	wrdreg s24  }
0xaf: {  	[dreg:$0x3] =	wrdreg $0x29000  }
0xb0: {  	[dreg:$0x4] =	wrdreg $0x9  }
0xb1: {  	_ =	task.clear_ibuf [dreg:s6], $0x5FFFF;
	_ =	strace $0x9000004C  }
0xb2: {  	s29 =	simm.s32 $0x9;
	_ =	strace $0x8000004E  }
0xb3: {  	_ =	swait.ge [sflag:s29], $0x1  }
0xb4: {  	[sflag:s29] =	ssyncadd.s32 $0xFFFFFFFF  }
0xb5: {  	_ =	strace $0x9000004E  }
0xb6: {  	_ =	sfence  }
0xb7: {  	s30 =	sld [smem:$0x0];
	_ =	sdelay $0x2  }
0xb8: {  	s31 =	sshll.u32 s1, $0xD;
	s1 =	sshrl.u32 s1, $0x2  }
0xb9: {  	s3 =	sand.u32 $0x4000, s31;
	s1 =	sadd.s32 s1, s30  }
0xba: {  	s0 =	sor.u32 s3, s0;
	s1 =	sshll.u32 s1, $0x11  }
0xbb: {  	s0 =	sor.u32 s1, s0  }
0xbc: {  	s0 =	sadd.s32 $0x8F2B, s0  }
0xbd: {  	[sflag:s0] =	ssyncadd.remote.s32 $0x1  }
0xbe: {  	_ =	sfence.sel $0xFFFF  }
0xbf: {  	[dreg:$0x0] =	wrdreg $0xFFFFFFFF;
	(pc) =	sbr.abs _section_cstart, $3  }
0xc0: {  	[dreg:$0x1] =	wrdreg $0xFFFFFFFF  }
0xc1: {  	_ =	task.clear_ibuf [dreg:s6], $0x2FFFF;
	_ =	strace $0x9FFFFFFF  }
0xc2: {  	(tm) =	ssettm $0x7FFFFFFF  }
0xc3: {  	_ =	shalt  }
tec
execute0_lowered:
.L_overlay_start_1:
0x0: {  	(tag) =	ssettag $0x1  }
0x1: {  	s5 =	rddreg [dreg:$0x0]  }
0x2: {  	s1 =	rddreg [dreg:$0x1];
	s2 =	srdreg.scid  }
0x3: {  	s0 =	rddreg [dreg:$0x2];
	s3 =	simm.s32 $0x0;
	s17 =	simm.s32 $0x100  }
0x4: {  	s18 =	simm.s32 $0x2;
	s19 =	simm.s32 $0x50;
	s9 =	sand.u32 $0x1, s2  }
0x5: {  	s20 =	simm.s32 $0x1;
	s2 =	stileid.u32;
	s6 =	smul.u32 $0x140000, s9  }
0x6: {  	s21 =	simm.s32 $0x80;
	s22 =	simm.s32 $0x0;
	s7 =	smul.u32 $0x14000, s2  }
0x7: {  	[smem:$0x7FF] =	sst s3;
	s4 =	sadd.s32 $0x11800, s5;
	s8 =	smul.u32 $0xFA0, s2  }
0x8: {  	_ =	strace $0x8000004D;
	s29 =	smul.u32 $0x50000, s2;
	s30 =	ssub.s32 $0x2, s9  }
0x9: {  	s15 =	smul.u32 $0x7D0, s9;
	s31 =	sshrl.u32 s30, $0x1;
	s6 =	sadd.s32 s7, s6  }
0xa: {  	s14 =	sadd.s32 s8, s5;
	s7 =	sshrl.u32 s29, $0x2;
	s6 =	sshrl.u32 s6, $0x3  }
0xb: {  	s8 =	ssub.s32 s30, s31;
	s16 =	sadd.s32 s15, s14;
	s5 =	sadd.s32 s6, s5  }
0xc: {  	s6 =	sadd.s32 s7, s1;
	s7 =	smax.u32 s8, $0x1;
	s15 =	sadd.s32 $0x61800, s16  }
0xd: {  	s16 =	sadd.s32 $0x1E00, s16;
	s5 =	sadd.s32 $0x71200, s5;
	s8 =	sadd.s32 $0x2800, s6  }
0xe: {  	s9 =	sadd.s32 $0x5000, s6;
	s10 =	sadd.s32 $0x7800, s6;
	s11 =	sadd.s32 $0xA000, s6  }
0xf: {  	v0 =	vimm.f32 $0.0e+00;
	s12 =	sadd.s32 $0xC800, s6;
	s13 =	sadd.s32 $0xF000, s6;
	s14 =	sadd.s32 $0x11800, s6  }
.LBB2_1:
0x10: {  	s23 =	simm.s32 $0x0;
	s24 =	simm.s32 $0x200  }
.LBB2_2:
0x11: {  	p0 =	sne.s32 s24, $0x9E00;
	[tilespmem:s23+$0x170] =	vst v0  }
0x12: {  	[tilespmem:s23+$0x100] =	vst v0  }
0x13: {  	[tilespmem:s23+$0x110] =	vst v0  }
.Ltmp0:
0x14: {  	[tilespmem:s23+$0x120] =	vst v0;
	(pc) =	sbr.rel @p0 .LBB2_2-.Ltmp0, $4  }
0x15: {  	[tilespmem:s23+$0x130] =	vst v0  }
0x16: {  	[tilespmem:s23+$0x140] =	vst v0  }
0x17: {  	[tilespmem:s23+$0x150] =	vst v0  }
0x18: {  	[tilespmem:s23+$0x160] =	vst v0;
	s23 =	sshra.s32 s24, $0x2;
	s24 =	sadd.s32 $0x200, s24  }
0x19: {  	[tilespmem:s23+$0x170] =	vst v0  }
0x1a: {  	[tilespmem:s23+$0x100] =	vst v0  }
0x1b: {  	[tilespmem:s23+$0x110] =	vst v0  }
0x1c: {  	[tilespmem:s23+$0x120] =	vst v0  }
0x1d: {  	[tilespmem:s23+$0x130] =	vst v0  }
0x1e: {  	[tilespmem:s23+$0x140] =	vst v0  }
0x1f: {  	[tilespmem:s23+$0x150] =	vst v0  }
0x20: {  	[tilespmem:s23+$0x160] =	vst v0  }
0x21: {  	[spmem:s6] =	stream.linear.scatter [tilespmem:s17], [sflag:$0x2], $0x2800, $0x38;
	[tilespmem:$0x16900] =	vst v63  }
0x22: {  	_ =	swait.ge [sflag:s18], $0x2800  }
0x23: {  	[sflag:s18] =	ssyncset.done $0x0  }
0x24: {  	[sflag:s18] =	ssyncadd.s32 $0xFFFFD800  }
0x25: {  	[spmem:s8] =	stream.linear.scatter [tilespmem:s17], [sflag:$0x2], $0x2800, $0x38;
	[tilespmem:$0x16900] =	vst v63  }
0x26: {  	_ =	swait.ge [sflag:s18], $0x2800  }
0x27: {  	[sflag:s18] =	ssyncset.done $0x0  }
0x28: {  	[sflag:s18] =	ssyncadd.s32 $0xFFFFD800  }
0x29: {  	[spmem:s9] =	stream.linear.scatter [tilespmem:s17], [sflag:$0x2], $0x2800, $0x38;
	[tilespmem:$0x16900] =	vst v63  }
0x2a: {  	_ =	swait.ge [sflag:s18], $0x2800  }
0x2b: {  	[sflag:s18] =	ssyncset.done $0x0  }
0x2c: {  	[sflag:s18] =	ssyncadd.s32 $0xFFFFD800  }
0x2d: {  	[spmem:s10] =	stream.linear.scatter [tilespmem:s17], [sflag:$0x2], $0x2800, $0x38;
	[tilespmem:$0x16900] =	vst v63  }
0x2e: {  	_ =	swait.ge [sflag:s18], $0x2800  }
0x2f: {  	[sflag:s18] =	ssyncset.done $0x0  }
0x30: {  	[sflag:s18] =	ssyncadd.s32 $0xFFFFD800  }
0x31: {  	[spmem:s11] =	stream.linear.scatter [tilespmem:s17], [sflag:$0x2], $0x2800, $0x38;
	[tilespmem:$0x16900] =	vst v63  }
0x32: {  	_ =	swait.ge [sflag:s18], $0x2800  }
0x33: {  	[sflag:s18] =	ssyncset.done $0x0  }
0x34: {  	[sflag:s18] =	ssyncadd.s32 $0xFFFFD800  }
0x35: {  	[spmem:s12] =	stream.linear.scatter [tilespmem:s17], [sflag:$0x2], $0x2800, $0x38;
	[tilespmem:$0x16900] =	vst v63  }
0x36: {  	_ =	swait.ge [sflag:s18], $0x2800  }
0x37: {  	[sflag:s18] =	ssyncset.done $0x0  }
0x38: {  	[sflag:s18] =	ssyncadd.s32 $0xFFFFD800  }
0x39: {  	[spmem:s13] =	stream.linear.scatter [tilespmem:s17], [sflag:$0x2], $0x2800, $0x38;
	[tilespmem:$0x16900] =	vst v63  }
0x3a: {  	_ =	swait.ge [sflag:s18], $0x2800  }
0x3b: {  	[sflag:s18] =	ssyncset.done $0x0  }
0x3c: {  	[sflag:s18] =	ssyncadd.s32 $0xFFFFD800  }
0x3d: {  	[spmem:s14] =	stream.linear.scatter [tilespmem:s17], [sflag:$0x2], $0x2800, $0x38;
	[tilespmem:$0x16900] =	vst v63  }
0x3e: {  	_ =	swait.ge [sflag:s18], $0x2800  }
0x3f: {  	[sflag:s18] =	ssyncset.done $0x0  }
0x40: {  	[sflag:s18] =	ssyncadd.s32 $0xFFFFD800  }
0x41: {  	s30 =	sadd.s32 $0x0, s15;
	[bflag:$0x0] =	sbarrier.arrive $0xFFFF  }
0x42: {  	[tilespmem:s3], [sflag:$0x2] =	stream.linear.gather [hbm4b:s30+s3], $0x80, $0x38;
	[tilespmem:$0x16900] =	vst v63  }
0x43: {  	_ =	swait.ge [sflag:s18], $0x80  }
0x44: {  	[sflag:s18] =	ssyncset.done $0x0  }
0x45: {  	[sflag:s18] =	ssyncadd.s32 $0xFFFFFF80  }
0x46: {  	[tilespmem:s17], [sflag:$0x1] =	stream.indirect.gather [hbm4b:s4+s19], $0x80, s3, s19, $0xb8;
	[tilespmem:$0x16900] =	vst v63  }
0x47: {  	_ =	swait.ge [sflag:s20], $0x2800  }
0x48: {  	[sflag:s20] =	ssyncset.done $0x0  }
0x49: {  	s31 =	sadd.s32 $0x0, s16;
	[sflag:s20] =	ssyncadd.s32 $0xFFFFD800  }
0x4a: {  	[tilespmem:s21], [sflag:$0x2] =	stream.linear.gather [hbm4b:s31+s3], $0x80, $0x38;
	[tilespmem:$0x16900] =	vst v63  }
0x4b: {  	_ =	swait.ge [sflag:s18], $0x80  }
0x4c: {  	[sflag:s18] =	ssyncset.done $0x0  }
0x4d: {  	[sflag:s18] =	ssyncadd.s32 $0xFFFFFF80  }
0x4e: {  	[spmem:s1] =	stream.indirect.scatter.add.f32 [tilespmem:s17], [sflag:$0x2], $0x80, s21, s19, $0xb8;
	[tilespmem:$0x16900] =	vst v63  }
0x4f: {  	_ =	swait.ge [sflag:s18], $0x2800  }
0x50: {  	s23 =	simm.s32 $0x10;
	s24 =	simm.s32 $0x20;
	[sflag:s18] =	ssyncset.done $0x0  }
.LBB2_4:
0x51: {  	s25 =	sadd.s32 s23, s15  }
0x52: {  	[sflag:s18] =	ssyncadd.s32 $0xFFFFD800;
	s26 =	smov.u32 s24;
	s28 =	sadd.s32 $0x10, s24  }
0x53: {  	[tilespmem:s3], [sflag:$0x2] =	stream.linear.gather [hbm4b:s25+s3], $0x80, $0x38;
	[tilespmem:$0x16900] =	vst v63  }
0x54: {  	p0 =	sne.s32 s24, $0x7C0;
	_ =	swait.ge [sflag:s18], $0x80  }
0x55: {  	[sflag:s18] =	ssyncset.done $0x0  }
0x56: {  	[sflag:s18] =	ssyncadd.s32 $0xFFFFFF80  }
0x57: {  	[tilespmem:s17], [sflag:$0x1] =	stream.indirect.gather [hbm4b:s4+s19], $0x80, s3, s19, $0xb8;
	[tilespmem:$0x16900] =	vst v63  }
0x58: {  	_ =	swait.ge [sflag:s20], $0x2800  }
0x59: {  	[sflag:s20] =	ssyncset.done $0x0  }
0x5a: {  	s24 =	sadd.s32 s23, s16;
	s23 =	smov.u32 s26;
	[sflag:s20] =	ssyncadd.s32 $0xFFFFD800  }
0x5b: {  	[tilespmem:s21], [sflag:$0x2] =	stream.linear.gather [hbm4b:s24+s3], $0x80, $0x38;
	[tilespmem:$0x16900] =	vst v63  }
0x5c: {  	_ =	swait.ge [sflag:s18], $0x80  }
.Ltmp1:
0x5d: {  	[sflag:s18] =	ssyncset.done $0x0;
	(pc) =	sbr.rel @p0 .LBB2_4-.Ltmp1, $4  }
0x5e: {  	[sflag:s18] =	ssyncadd.s32 $0xFFFFFF80  }
0x5f: {  	[spmem:s1] =	stream.indirect.scatter.add.f32 [tilespmem:s17], [sflag:$0x2], $0x80, s21, s19, $0xb8;
	[tilespmem:$0x16900] =	vst v63  }
0x60: {  	_ =	swait.ge [sflag:s18], $0x2800  }
0x61: {  	s24 =	smov.u32 s28;
	[sflag:s18] =	ssyncset.done $0x0  }
0x62: {  	s24 =	sadd.s32 s23, s15;
	[sflag:s18] =	ssyncadd.s32 $0xFFFFD800  }
0x63: {  	[tilespmem:s3], [sflag:$0x2] =	stream.linear.gather [hbm4b:s24+s3], $0x80, $0x38;
	[tilespmem:$0x16900] =	vst v63  }
0x64: {  	_ =	swait.ge [sflag:s18], $0x80  }
0x65: {  	[sflag:s18] =	ssyncset.done $0x0  }
0x66: {  	[sflag:s18] =	ssyncadd.s32 $0xFFFFFF80  }
0x67: {  	[tilespmem:s17], [sflag:$0x1] =	stream.indirect.gather [hbm4b:s4+s19], $0x80, s3, s19, $0xb8;
	[tilespmem:$0x16900] =	vst v63  }
0x68: {  	_ =	swait.ge [sflag:s20], $0x2800  }
0x69: {  	[sflag:s20] =	ssyncset.done $0x0  }
0x6a: {  	s29 =	sadd.s32 s23, s16;
	[sflag:s20] =	ssyncadd.s32 $0xFFFFD800  }
0x6b: {  	[tilespmem:s21], [sflag:$0x2] =	stream.linear.gather [hbm4b:s29+s3], $0x80, $0x38;
	[tilespmem:$0x16900] =	vst v63  }
0x6c: {  	_ =	swait.ge [sflag:s18], $0x80  }
0x6d: {  	[sflag:s18] =	ssyncset.done $0x0  }
0x6e: {  	[sflag:s18] =	ssyncadd.s32 $0xFFFFFF80  }
0x6f: {  	[spmem:s1] =	stream.indirect.scatter.add.f32 [tilespmem:s17], [sflag:$0x2], $0x80, s21, s19, $0xb8;
	[tilespmem:$0x16900] =	vst v63  }
0x70: {  	_ =	swait.ge [sflag:s18], $0x2800  }
0x71: {  	s30 =	sshll.u32 s2, $0x6;
	s22 =	sadd.s32 $0x1, s22;
	[sflag:s18] =	ssyncset.done $0x0  }
0x72: {  	s31 =	sshrl.u32 s6, $0x3;
	p0 =	sne.s32 s22, s7;
	[sflag:s18] =	ssyncadd.s32 $0xFFFFD800  }
.Ltmp2:
0x73: {  	s23 =	sor.u32 $0x1C02, s30;
	[bflag:$0x0] =	sbarrier.arrive $0xFFFF;
	(pc) =	sbr.rel @p0 .LBB2_1-.Ltmp2, $4  }
0x74: {  	[hbm:s5], [sflag:s23] =	dma.local [spmem:s31], $0x2800  }
0x75: {  	_ =	swait.ge [sflag:s18], $0x2800  }
0x76: {  	[sflag:s18] =	ssyncset.done $0x0  }
0x77: {  	[sflag:s18] =	ssyncadd.s32 $0xFFFFD800  }
0x78: {  	_ =	sfence.sel $0x180000  }
0x79: {  	[bflag:$0x0] =	sbarrier.arrive $0xFFFF  }
0x7a: {  	p0 =	sne.s32 s2, $0x0;
	_ =	strace $0x9000004D  }
0x7b: {  	s0 =	sadd.s32 @!p0 $0x100000, s0;
	[bflag:$0x2] =	sbarrier.arrive $0xFFFF  }
0x7c: {  	[sflag:s0] =	ssyncadd.tile.s32 @!p0 $0x1;
	_ =	shalt  }
.Lfunc_end2:
_tile_overlayer_lowered:
.L_overlay_start_2:
0x7d: {  	(tag) =	ssettag $0x2  }
0x7e: {  	s0 =	rddreg [dreg:$0x0];
	s2 =	stileid.u32  }
0x7f: {  	s1 =	rddreg [dreg:$0x1];
	p0 =	sne.s32 s2, $0x0  }
0x80: {  	s3 =	rddreg [dreg:$0x2];
	[bflag:$0x3] =	sbarrier.arrive $0xFFFF;
	s2 =	simm.s32 @!p0 $0x1C02  }
0x81: {  	[timem:s3], [sflag:s2] =	dma.local @!p0 [hbm:s0], s1  }
0x82: {  	s0 =	simm.s32 @!p0 $0x2  }
0x83: {  	_ =	swait.ge @!p0 [sflag:s0], s1  }
0x84: {  	s1 =	ssub.s32 @!p0 $0x0, s1;
	[sflag:s0] =	ssyncset.done @!p0 $0x0  }
0x85: {  	[sflag:s0] =	ssyncadd.s32 @!p0 s1  }
0x86: {  	[bflag:$0x3] =	sbarrier.arrive $0xFFFF  }
0x87: {  	_ =	shalt  }

// kernel: kernel.8.cloned.1.call-start
scs
__scs_entry_jumppad:
0x0: {  	(pc) =	sbr.rel $0x88, $3  }
0x1: {  	(tag) =	ssettag $0x0;
	lr =	simm.s32 $0x1  }
0x2: {  	[smem:$0x3F9B] =	sst lr;
	_ =	strace $0xD0000000  }
0x3: {  	_ = 	snop  }
0x4: {  	_ = 	snop  }
0x5: {  	_ = 	snop  }
0x6: {  	_ = 	snop  }
0x7: {  	_ = 	snop  }
__scs_overlays_trampoline_lowered:
0x8: {  	[smem:$0x3FAA] =	sst s0  }
0x9: {  	[smem:$0x3FAB] =	sst s1  }
0xa: {  	[smem:$0x3FAC] =	sst s2  }
0xb: {  	[smem:$0x3FAD] =	sst s3  }
0xc: {  	[smem:$0x3FAE] =	sst s4  }
0xd: {  	[smem:$0x3FAF] =	sst s5  }
0xe: {  	[smem:$0x3FB0] =	sst s6  }
0xf: {  	[smem:$0x3FB1] =	sst s7  }
0x10: {  	[smem:$0x3FB2] =	sst s8  }
0x11: {  	[smem:$0x3FB3] =	sst s9;
	s0 =	simm.s32 @!p0 $0x0  }
0x12: {  	s1 =	sld [smem:$0x3F99];
	s0 =	simm.s32 @p0 $0x1  }
0x13: {  	[smem:$0x3FB4] =	sst s0;
	s0 =	simm.s32 @!p1 $0x0  }
0x14: {  	s2 =	sld [smem:$0x3F98];
	s0 =	simm.s32 @p1 $0x1  }
0x15: {  	[smem:$0x3FB5] =	sst s0;
	s0 =	simm.s32 @!p2 $0x0  }
0x16: {  	s3 =	sld [smem:$0x3FDB];
	s0 =	simm.s32 @p2 $0x1  }
0x17: {  	s4 =	simm.s32 $0x1BF5;
	[smem:$0x3FB7] =	sst s0  }
0x18: {  	s0 =	sld [smem:$0x3F9A];
	_ =	swait.ge [sflag:s4], $0x0  }
0x19: {  	s7 =	sld [smem:$0x3F9B]  }
0x1a: {  	s8 =	sadd.s32 $0xFFFFE003, lr  }
0x1b: {  	s9 =	sadd.s32 $0xFFFFFEF7, lr;
	s5 =	simm.s32 $0xFFFFFFFF;
	p2 =	slt.u32 s8, $0xFFFFF086  }
0x1c: {  	p1 =	slt.u32 s9, $0xF7A;
	s5 =	simm.s32 @!p2 $0x0  }
0x1d: {  	s5 =	simm.s32 @p1 $0x1;
	p0 =	seq.s32 s7, s2  }
0x1e: {  	s7 =	smul.u32 @!p0 $0xF7A, s2;
	p2 =	seq.s32 @!p0 s5, $0x0  }
0x1f: {  	s9 =	smul.u32 $0xF7A, s1;
	s8 =	simm.s32 @!p0 $0x1BF5;
	p2 =	por !p2, p0  }
0x20: {  	[sflag:s8] =	ssyncset.s32 @!p0 $0xFFFFF086;
	s6 =	sadd.s32 @!p0 s3, s7;
	s7 =	simm.s32 @!p0 $0x108  }
0x21: {  	s3 =	sadd.s32 s3, s9;
	s6 =	sadd.s32 @!p0 $0x88, s6;
	s7 =	simm.s32 @p2 $0x1082  }
0x22: {  	[simem:s7], [sflag:s8] =	dma.local @!p0 [hbm:s6], $0xF7A  }
0x23: {  	s9 =	sor.u32 $0xD0000000, s2;
	s6 =	simm.s32 $0x108;
	_ =	swait.ge @!p0 [sflag:s8], $0x0  }
0x24: {  	s3 =	sadd.s32 $0x88, s3;
	s6 =	simm.s32 @!p1 $0x1082;
	[sflag:s4] =	ssyncset.s32 $0xFFFFF086  }
0x25: {  	[simem:s6], [sflag:s4] =	dma.local [hbm:s3], $0xF7A  }
0x26: {  	[smem:$0x3F9B] =	sst s1;
	(tag) =	ssettag s2;
	_ =	strace s9  }
0x27: {  	s1 =	sld [smem:$0x3FAB]  }
0x28: {  	s2 =	sld [smem:$0x3FAC]  }
0x29: {  	s4 =	sld [smem:$0x3FAE]  }
0x2a: {  	p0 =	seq.s32 s5, $0x0;
	s5 =	sld [smem:$0x3FAF]  }
0x2b: {  	s6 =	sld [smem:$0x3FB0]  }
0x2c: {  	s7 =	sld [smem:$0x3FB1]  }
0x2d: {  	s3 =	simm.s32 $0x108;
	s8 =	sld [smem:$0x3FB2]  }
0x2e: {  	s3 =	simm.s32 @!p0 $0x1082;
	s9 =	sld [smem:$0x3FB3]  }
0x2f: {  	lr =	sadd.s32 s0, s3;
	s0 =	sld [smem:$0x3FAA]  }
0x30: {  	s3 =	sld [smem:$0x3FAD]  }
0x31: {  	[smem:$0x3FB6] =	sst s10  }
0x32: {  	s10 =	sld [smem:$0x3FB4];
	_ =	sdelay $0x3  }
0x33: {  	p0 =	seq.s32 s10, $0x1;
	s10 =	sld [smem:$0x3FB6];
	_ =	sdelay $0x3  }
0x34: {  	[smem:$0x3FB6] =	sst s10  }
0x35: {  	s10 =	sld [smem:$0x3FB5];
	_ =	sdelay $0x3  }
0x36: {  	p1 =	seq.s32 s10, $0x1;
	s10 =	sld [smem:$0x3FB6];
	_ =	sdelay $0x3  }
0x37: {  	[smem:$0x3FB6] =	sst s10  }
0x38: {  	s10 =	sld [smem:$0x3FB7]  }
0x39: {  	_ = 	snop;
	(pc) =	sbr.ind lr, $3  }
0x3a: {  	_ = 	snop  }
0x3b: {  	_ = 	snop  }
0x3c: {  	p2 =	seq.s32 s10, $0x1;
	s10 =	sld [smem:$0x3FB6]  }
0x3d: {  	_ =	shalt  }
0x3e: {  	_ =	shalt  }
0x3f: {  	_ =	shalt  }
0x40: {  	_ =	shalt  }
0x41: {  	_ =	shalt  }
0x42: {  	_ =	shalt  }
0x43: {  	_ =	shalt  }
0x44: {  	_ =	shalt  }
0x45: {  	_ =	shalt  }
0x46: {  	_ =	shalt  }
0x47: {  	_ =	shalt  }
0x48: {  	_ =	shalt  }
0x49: {  	_ =	shalt  }
0x4a: {  	_ =	shalt  }
0x4b: {  	_ =	shalt  }
0x4c: {  	_ =	shalt  }
0x4d: {  	_ =	shalt  }
0x4e: {  	_ =	shalt  }
0x4f: {  	_ =	shalt  }
0x50: {  	_ =	shalt  }
0x51: {  	_ =	shalt  }
0x52: {  	_ =	shalt  }
0x53: {  	_ =	shalt  }
0x54: {  	_ =	shalt  }
0x55: {  	_ =	shalt  }
0x56: {  	_ =	shalt  }
0x57: {  	_ =	shalt  }
0x58: {  	_ =	shalt  }
0x59: {  	_ =	shalt  }
0x5a: {  	_ =	shalt  }
0x5b: {  	_ =	shalt  }
0x5c: {  	_ =	shalt  }
0x5d: {  	_ =	shalt  }
0x5e: {  	_ =	shalt  }
0x5f: {  	_ =	shalt  }
0x60: {  	_ =	shalt  }
0x61: {  	_ =	shalt  }
0x62: {  	_ =	shalt  }
0x63: {  	_ =	shalt  }
0x64: {  	_ =	shalt  }
0x65: {  	_ =	shalt  }
0x66: {  	_ =	shalt  }
0x67: {  	_ =	shalt  }
0x68: {  	_ =	shalt  }
0x69: {  	_ =	shalt  }
0x6a: {  	_ =	shalt  }
0x6b: {  	_ =	shalt  }
0x6c: {  	_ =	shalt  }
0x6d: {  	_ =	shalt  }
0x6e: {  	_ =	shalt  }
0x6f: {  	_ =	shalt  }
0x70: {  	_ =	shalt  }
0x71: {  	_ =	shalt  }
0x72: {  	_ =	shalt  }
0x73: {  	_ =	shalt  }
0x74: {  	_ =	shalt  }
0x75: {  	_ =	shalt  }
0x76: {  	_ =	shalt  }
0x77: {  	_ =	shalt  }
0x78: {  	_ =	shalt  }
0x79: {  	_ =	shalt  }
0x7a: {  	_ =	shalt  }
0x7b: {  	_ =	shalt  }
0x7c: {  	_ =	shalt  }
0x7d: {  	_ =	shalt  }
0x7e: {  	_ =	shalt  }
0x7f: {  	_ =	shalt  }
0x80: {  	_ =	shalt  }
0x81: {  	_ =	shalt  }
0x82: {  	_ =	shalt  }
0x83: {  	_ =	shalt  }
0x84: {  	_ =	shalt  }
0x85: {  	_ =	shalt  }
0x86: {  	_ =	shalt  }
0x87: {  	_ =	shalt  }
.Lfunc_end0:
.L_simem_size_0:
called_computation_lowered:
.L_overlay_start_0:
0x88: {  	s2 =	sld [smem:$0x3FD9]  }
0x89: {  	s3 =	sld [smem:$0x3FFE];
	_ =	sdelay $0x1  }
0x8a: {  	s1 =	srdreg.scid  }
0x8b: {  	s0 =	sand.u32 $0x1, s1  }
0x8c: {  	s16 =	sshll.u32 s0, $0xA;
	s2 =	sadd.s32 s3, s2  }
0x8d: {  	s2 =	sadd.s32 s2, s16  }
0x8e: {  	[smem:$0x3FC2] =	sst s2  }
0x8f: {  	_ = 	snop  }
0x90: {  	(tm) =	ssettm $0x1  }
0x91: {  	s17 =	sld [smem:$0x3FFB];
	_ =	sdelay $0x3  }
0x92: {  	_ =	strace s17  }
0x93: {  	s2 =	sld [smem:$0x3FFC];
	_ =	sdelay $0x3  }
0x94: {  	_ =	strace s2  }
0x95: {  	s2 =	sld [smem:$0x3FFD];
	_ =	sdelay $0x3  }
0x96: {  	_ =	strace s2  }
0x97: {  	_ =	strace $0x8FFFFFFF  }
0x98: {  	s18 =	sld [smem:$0x3FDB];
	_ =	sdelay $0x1  }
0x99: {  	s19 =	simm.s32 $_scs_section_size  }
0x9a: {  	s4 =	simm.s32 $_size__tile_overlayer_lowered;
	s5 =	simm.s32 $_tile_overlayer_lowered  }
0x9b: {  	s22 =	simm.s32 $0x1BFF;
	s21 =	sshll.u32 s5, $0x1;
	s2 =	sadd.s32 s19, s18  }
0x9c: {  	s6 =	simm.s32 $0x0;
	s20 =	sshll.u32 s4, $0x1;
	s4 =	sadd.s32 s21, s2  }
0x9d: {  	[timem:s6], [sflag:s22] =	dma.local [hbm:s4], s20  }
0x9e: {  	_ =	swait.ge [sflag:s22], s20  }
0x9f: {  	s3 =	ssub.s32 $0x0, s20;
	[sflag:s22] =	ssyncset.done $0x0  }
0xa0: {  	[sflag:s22] =	ssyncadd.s32 s3;
	_ =	sdelay $0x1  }
0xa1: {  	s23 =	simm.s32 $0x1B8B  }
0xa2: {  	_ =	swait.ge [sflag:s23], $0x1  }
0xa3: {  	[sflag:s23] =	ssyncset.done $0x0  }
0xa4: {  	s25 =	simm.s32 $0x1B8E;
	s24 =	sld [smem:$0x3FFE];
	[sflag:s23] =	ssyncadd.s32 $0xFFFFFFFF  }
0xa5: {  	s26 =	simm.s32 $execute0_lowered;
	[smem:$0x3FD2] =	sst s25  }
0xa6: {  	s4 =	sshll.u32 s26, $0x1;
	_ =	strace $0x80000046;
	[dreg:$0x1] =	wrdreg $0xFFFFFFFF  }
0xa7: {  	s28 =	simm.s32 $_size_execute0_lowered;
	s2 =	sadd.s32 s2, s4;
	[dreg:$0x0] =	wrdreg $0x0  }
0xa8: {  	s4 =	sshll.u32 s28, $0x1;
	[dreg:$0x2] =	wrdreg s2  }
0xa9: {  	[dreg:$0x3] =	wrdreg s4  }
0xaa: {  	[dreg:$0x4] =	wrdreg $0xC0  }
0xab: {  	_ =	task [dreg:s6], $0x5FFFF  }
0xac: {  	[dreg:$0x1] =	wrdreg $0xFFFFFFFF  }
0xad: {  	[dreg:$0x0] =	wrdreg $0x60  }
0xae: {  	[dreg:$0x2] =	wrdreg s24  }
0xaf: {  	[dreg:$0x3] =	wrdreg $0x28800  }
0xb0: {  	[dreg:$0x4] =	wrdreg $0x9  }
0xb1: {  	_ =	task.clear_ibuf [dreg:s6], $0x5FFFF;
	_ =	strace $0x90000046  }
0xb2: {  	s29 =	simm.s32 $0x9;
	_ =	strace $0x80000048  }
0xb3: {  	_ =	swait.ge [sflag:s29], $0x1  }
0xb4: {  	[sflag:s29] =	ssyncadd.s32 $0xFFFFFFFF  }
0xb5: {  	_ =	strace $0x90000048  }
0xb6: {  	_ =	sfence  }
0xb7: {  	s30 =	sld [smem:$0x0];
	_ =	sdelay $0x2  }
0xb8: {  	s31 =	sshll.u32 s1, $0xD;
	s1 =	sshrl.u32 s1, $0x2  }
0xb9: {  	s3 =	sand.u32 $0x4000, s31;
	s1 =	sadd.s32 s1, s30  }
0xba: {  	s0 =	sor.u32 s3, s0;
	s1 =	sshll.u32 s1, $0x11  }
0xbb: {  	s0 =	sor.u32 s1, s0  }
0xbc: {  	s0 =	sadd.s32 $0x8F2B, s0  }
0xbd: {  	[sflag:s0] =	ssyncadd.remote.s32 $0x1  }
0xbe: {  	_ =	sfence.sel $0xFFFF  }
0xbf: {  	[dreg:$0x0] =	wrdreg $0xFFFFFFFF;
	(pc) =	sbr.abs _section_cstart, $3  }
0xc0: {  	[dreg:$0x1] =	wrdreg $0xFFFFFFFF  }
0xc1: {  	_ =	task.clear_ibuf [dreg:s6], $0x2FFFF;
	_ =	strace $0x9FFFFFFF  }
0xc2: {  	(tm) =	ssettm $0x7FFFFFFF  }
0xc3: {  	_ =	shalt  }
tec
execute0_lowered:
.L_overlay_start_1:
0x0: {  	(tag) =	ssettag $0x1  }
0x1: {  	s4 =	rddreg [dreg:$0x0];
	s0 =	srdreg.scid  }
0x2: {  	s2 =	rddreg [dreg:$0x1];
	s1 =	stileid.u32;
	s3 =	simm.s32 $0x0  }
0x3: {  	s15 =	simm.s32 $0x80;
	s16 =	simm.s32 $0x1;
	s6 =	smul.u32 $0x14000, s1  }
0x4: {  	s17 =	simm.s32 $0x50;
	s20 =	simm.s32 $0x0;
	s7 =	smul.u32 $0xFA0, s1  }
0x5: {  	s8 =	sand.u32 $0x1, s0;
	s0 =	rddreg [dreg:$0x2];
	s29 =	smul.u32 $0x50000, s1  }
0x6: {  	[smem:$0x7FF] =	sst s3;
	s18 =	sshll.u32 s1, $0x6;
	s5 =	smul.u32 $0x140000, s8  }
0x7: {  	_ =	strace $0x80000047;
	s30 =	ssub.s32 $0x2, s8;
	s14 =	smul.u32 $0x7D0, s8  }
0x8: {  	s18 =	sor.u32 $0x1C01, s18;
	s13 =	sadd.s32 s7, s4;
	s31 =	sshrl.u32 s30, $0x1  }
0x9: {  	s5 =	sadd.s32 s6, s5;
	s6 =	sshrl.u32 s29, $0x2;
	s14 =	sadd.s32 s14, s13  }
0xa: {  	s7 =	ssub.s32 s30, s31;
	s5 =	sshrl.u32 s5, $0x3;
	s14 =	sadd.s32 $0x1E00, s14  }
0xb: {  	s4 =	sadd.s32 s5, s4;
	s5 =	sadd.s32 s6, s2;
	s6 =	smax.u32 s7, $0x1  }
0xc: {  	s4 =	sadd.s32 $0x11800, s4;
	s7 =	sadd.s32 $0x2800, s5;
	s8 =	sadd.s32 $0x5000, s5  }
0xd: {  	s9 =	sadd.s32 $0x7800, s5;
	s10 =	sadd.s32 $0xA000, s5;
	s11 =	sadd.s32 $0xC800, s5  }
0xe: {  	v0 =	vimm.f32 $0.0e+00;
	v1 =	vimm.f32 $1.000000000e+00;
	s12 =	sadd.s32 $0xF000, s5;
	s13 =	sadd.s32 $0x11800, s5;
	s19 =	sshrl.u32 s5, $0x3  }
.LBB2_1:
0xf: {  	s21 =	simm.s32 $0x0;
	s22 =	simm.s32 $0x200  }
.LBB2_2:
0x10: {  	p0 =	sne.s32 s22, $0x9E00;
	[tilespmem:s21+$0xF0] =	vst v0  }
0x11: {  	[tilespmem:s21+$0x80] =	vst v0  }
0x12: {  	[tilespmem:s21+$0x90] =	vst v0  }
.Ltmp0:
0x13: {  	[tilespmem:s21+$0xA0] =	vst v0;
	(pc) =	sbr.rel @p0 .LBB2_2-.Ltmp0, $4  }
0x14: {  	[tilespmem:s21+$0xB0] =	vst v0  }
0x15: {  	[tilespmem:s21+$0xC0] =	vst v0  }
0x16: {  	[tilespmem:s21+$0xD0] =	vst v0  }
0x17: {  	[tilespmem:s21+$0xE0] =	vst v0;
	s21 =	sshra.s32 s22, $0x2;
	s22 =	sadd.s32 $0x200, s22  }
0x18: {  	[tilespmem:s21+$0xF0] =	vst v0  }
0x19: {  	[tilespmem:s21+$0x80] =	vst v0  }
0x1a: {  	[tilespmem:s21+$0x90] =	vst v0  }
0x1b: {  	[tilespmem:s21+$0xA0] =	vst v0  }
0x1c: {  	[tilespmem:s21+$0xB0] =	vst v0  }
0x1d: {  	[tilespmem:s21+$0xC0] =	vst v0  }
0x1e: {  	[tilespmem:s21+$0xD0] =	vst v0  }
0x1f: {  	[tilespmem:s21+$0xE0] =	vst v0  }
0x20: {  	[spmem:s5] =	stream.linear.scatter [tilespmem:s15], [sflag:$0x1], $0x2800, $0x38;
	[tilespmem:$0x16880] =	vst v63  }
0x21: {  	_ =	swait.ge [sflag:s16], $0x2800  }
0x22: {  	[sflag:s16] =	ssyncset.done $0x0  }
0x23: {  	[sflag:s16] =	ssyncadd.s32 $0xFFFFD800  }
0x24: {  	[spmem:s7] =	stream.linear.scatter [tilespmem:s15], [sflag:$0x1], $0x2800, $0x38;
	[tilespmem:$0x16880] =	vst v63  }
0x25: {  	_ =	swait.ge [sflag:s16], $0x2800  }
0x26: {  	[sflag:s16] =	ssyncset.done $0x0  }
0x27: {  	[sflag:s16] =	ssyncadd.s32 $0xFFFFD800  }
0x28: {  	[spmem:s8] =	stream.linear.scatter [tilespmem:s15], [sflag:$0x1], $0x2800, $0x38;
	[tilespmem:$0x16880] =	vst v63  }
0x29: {  	_ =	swait.ge [sflag:s16], $0x2800  }
0x2a: {  	[sflag:s16] =	ssyncset.done $0x0  }
0x2b: {  	[sflag:s16] =	ssyncadd.s32 $0xFFFFD800  }
0x2c: {  	[spmem:s9] =	stream.linear.scatter [tilespmem:s15], [sflag:$0x1], $0x2800, $0x38;
	[tilespmem:$0x16880] =	vst v63  }
0x2d: {  	_ =	swait.ge [sflag:s16], $0x2800  }
0x2e: {  	[sflag:s16] =	ssyncset.done $0x0  }
0x2f: {  	[sflag:s16] =	ssyncadd.s32 $0xFFFFD800  }
0x30: {  	[spmem:s10] =	stream.linear.scatter [tilespmem:s15], [sflag:$0x1], $0x2800, $0x38;
	[tilespmem:$0x16880] =	vst v63  }
0x31: {  	_ =	swait.ge [sflag:s16], $0x2800  }
0x32: {  	[sflag:s16] =	ssyncset.done $0x0  }
0x33: {  	[sflag:s16] =	ssyncadd.s32 $0xFFFFD800  }
0x34: {  	[spmem:s11] =	stream.linear.scatter [tilespmem:s15], [sflag:$0x1], $0x2800, $0x38;
	[tilespmem:$0x16880] =	vst v63  }
0x35: {  	_ =	swait.ge [sflag:s16], $0x2800  }
0x36: {  	[sflag:s16] =	ssyncset.done $0x0  }
0x37: {  	[sflag:s16] =	ssyncadd.s32 $0xFFFFD800  }
0x38: {  	[spmem:s12] =	stream.linear.scatter [tilespmem:s15], [sflag:$0x1], $0x2800, $0x38;
	[tilespmem:$0x16880] =	vst v63  }
0x39: {  	_ =	swait.ge [sflag:s16], $0x2800  }
0x3a: {  	[sflag:s16] =	ssyncset.done $0x0  }
0x3b: {  	[sflag:s16] =	ssyncadd.s32 $0xFFFFD800  }
0x3c: {  	[spmem:s13] =	stream.linear.scatter [tilespmem:s15], [sflag:$0x1], $0x2800, $0x38;
	[tilespmem:$0x16880] =	vst v63  }
0x3d: {  	_ =	swait.ge [sflag:s16], $0x2800  }
0x3e: {  	[sflag:s16] =	ssyncset.done $0x0  }
0x3f: {  	[sflag:s16] =	ssyncadd.s32 $0xFFFFD800  }
0x40: {  	s21 =	simm.s32 $0x0;
	s22 =	simm.s32 $0x200;
	[bflag:$0x0] =	sbarrier.arrive $0xFFFF  }
.LBB2_4:
0x41: {  	p0 =	sne.s32 s22, $0x9E00;
	[tilespmem:s21+$0xF0] =	vst v1  }
0x42: {  	[tilespmem:s21+$0x80] =	vst v1  }
0x43: {  	[tilespmem:s21+$0x90] =	vst v1  }
.Ltmp1:
0x44: {  	[tilespmem:s21+$0xA0] =	vst v1;
	(pc) =	sbr.rel @p0 .LBB2_4-.Ltmp1, $4  }
0x45: {  	[tilespmem:s21+$0xB0] =	vst v1  }
0x46: {  	[tilespmem:s21+$0xC0] =	vst v1  }
0x47: {  	[tilespmem:s21+$0xD0] =	vst v1  }
0x48: {  	[tilespmem:s21+$0xE0] =	vst v1;
	s21 =	sshra.s32 s22, $0x2;
	s22 =	sadd.s32 $0x200, s22  }
0x49: {  	[tilespmem:s21+$0xF0] =	vst v1  }
0x4a: {  	[tilespmem:s21+$0x80] =	vst v1  }
0x4b: {  	[tilespmem:s21+$0x90] =	vst v1  }
0x4c: {  	[tilespmem:s21+$0xA0] =	vst v1  }
0x4d: {  	[tilespmem:s21+$0xB0] =	vst v1  }
0x4e: {  	[tilespmem:s21+$0xC0] =	vst v1  }
0x4f: {  	[tilespmem:s21+$0xD0] =	vst v1  }
0x50: {  	[tilespmem:s21+$0xE0] =	vst v1;
	s31 =	sadd.s32 $0x0, s14  }
0x51: {  	[tilespmem:s3], [sflag:$0x1] =	stream.linear.gather [hbm4b:s31+s3], $0x80, $0x38;
	[tilespmem:$0x16880] =	vst v63  }
0x52: {  	_ =	swait.ge [sflag:s16], $0x80  }
0x53: {  	[sflag:s16] =	ssyncset.done $0x0  }
0x54: {  	[sflag:s16] =	ssyncadd.s32 $0xFFFFFF80  }
0x55: {  	[spmem:s2] =	stream.indirect.scatter.add.f32 [tilespmem:s15], [sflag:$0x1], $0x80, s3, s17, $0xb8;
	[tilespmem:$0x16880] =	vst v63  }
0x56: {  	_ =	swait.ge [sflag:s16], $0x2800  }
0x57: {  	s21 =	simm.s32 $0x10;
	s22 =	simm.s32 $0x20;
	[sflag:s16] =	ssyncset.done $0x0  }
.LBB2_6:
0x58: {  	s23 =	sadd.s32 s21, s14  }
0x59: {  	[sflag:s16] =	ssyncadd.s32 $0xFFFFD800;
	s21 =	smov.u32 s22;
	s24 =	sadd.s32 $0x10, s22  }
0x5a: {  	[tilespmem:s3], [sflag:$0x1] =	stream.linear.gather [hbm4b:s23+s3], $0x80, $0x38;
	[tilespmem:$0x16880] =	vst v63  }
0x5b: {  	p0 =	sne.s32 s22, $0x7C0;
	_ =	swait.ge [sflag:s16], $0x80  }
.Ltmp2:
0x5c: {  	[sflag:s16] =	ssyncset.done $0x0;
	(pc) =	sbr.rel @p0 .LBB2_6-.Ltmp2, $4  }
0x5d: {  	[sflag:s16] =	ssyncadd.s32 $0xFFFFFF80  }
0x5e: {  	[spmem:s2] =	stream.indirect.scatter.add.f32 [tilespmem:s15], [sflag:$0x1], $0x80, s3, s17, $0xb8;
	[tilespmem:$0x16880] =	vst v63  }
0x5f: {  	_ =	swait.ge [sflag:s16], $0x2800  }
0x60: {  	s22 =	smov.u32 s24;
	[sflag:s16] =	ssyncset.done $0x0  }
0x61: {  	s21 =	sadd.s32 s21, s14;
	[sflag:s16] =	ssyncadd.s32 $0xFFFFD800  }
0x62: {  	[tilespmem:s3], [sflag:$0x1] =	stream.linear.gather [hbm4b:s21+s3], $0x80, $0x38;
	[tilespmem:$0x16880] =	vst v63  }
0x63: {  	_ =	swait.ge [sflag:s16], $0x80  }
0x64: {  	[sflag:s16] =	ssyncset.done $0x0  }
0x65: {  	[sflag:s16] =	ssyncadd.s32 $0xFFFFFF80  }
0x66: {  	[spmem:s2] =	stream.indirect.scatter.add.f32 [tilespmem:s15], [sflag:$0x1], $0x80, s3, s17, $0xb8;
	[tilespmem:$0x16880] =	vst v63  }
0x67: {  	_ =	swait.ge [sflag:s16], $0x2800  }
0x68: {  	s20 =	sadd.s32 $0x1, s20;
	[sflag:s16] =	ssyncset.done $0x0  }
0x69: {  	p0 =	sne.s32 s20, s6;
	[sflag:s16] =	ssyncadd.s32 $0xFFFFD800  }
.Ltmp3:
0x6a: {  	[bflag:$0x0] =	sbarrier.arrive $0xFFFF;
	(pc) =	sbr.rel @p0 .LBB2_1-.Ltmp3, $4  }
0x6b: {  	[hbm:s4], [sflag:s18] =	dma.local [spmem:s19], $0x2800  }
0x6c: {  	_ =	swait.ge [sflag:s16], $0x2800  }
0x6d: {  	[sflag:s16] =	ssyncset.done $0x0  }
0x6e: {  	[sflag:s16] =	ssyncadd.s32 $0xFFFFD800  }
0x6f: {  	_ =	sfence.sel $0x180000  }
0x70: {  	[bflag:$0x0] =	sbarrier.arrive $0xFFFF  }
0x71: {  	p0 =	sne.s32 s1, $0x0;
	_ =	strace $0x90000047  }
0x72: {  	s0 =	sadd.s32 @!p0 $0x100000, s0;
	[bflag:$0x2] =	sbarrier.arrive $0xFFFF  }
0x73: {  	[sflag:s0] =	ssyncadd.tile.s32 @!p0 $0x1;
	_ =	shalt  }
.Lfunc_end2:
_tile_overlayer_lowered:
.L_overlay_start_2:
0x74: {  	(tag) =	ssettag $0x2  }
0x75: {  	s0 =	rddreg [dreg:$0x0];
	s2 =	stileid.u32  }
0x76: {  	s1 =	rddreg [dreg:$0x1];
	p0 =	sne.s32 s2, $0x0  }
0x77: {  	s3 =	rddreg [dreg:$0x2];
	[bflag:$0x3] =	sbarrier.arrive $0xFFFF;
	s2 =	simm.s32 @!p0 $0x1C01  }
0x78: {  	[timem:s3], [sflag:s2] =	dma.local @!p0 [hbm:s0], s1  }
0x79: {  	s0 =	simm.s32 @!p0 $0x1  }
0x7a: {  	_ =	swait.ge @!p0 [sflag:s0], s1  }
0x7b: {  	s1 =	ssub.s32 @!p0 $0x0, s1;
	[sflag:s0] =	ssyncset.done @!p0 $0x0  }
0x7c: {  	[sflag:s0] =	ssyncadd.s32 @!p0 s1  }
0x7d: {  	[bflag:$0x3] =	sbarrier.arrive $0xFFFF  }
0x7e: {  	_ =	shalt  }

</sc_bundles>
